<compile_context>
chip_gen: v7x
topology: tpu7x:2x2x1
jax: 0.10.2.dev20260603
libtpu: 0.0.44.dev20260713+nightly
codegen_flags: <defaults>
</compile_context>

<pallas_src>
import functools

import jax
import jax.numpy as jnp
from jax import lax
from jax.experimental import pallas as pl
from jax.experimental.pallas import tpu as pltpu
from jax.experimental.pallas import tpu_sc as plsc

_N = 100000
_G = 512
_D = 128
_S = 5
_R = 2000
_NB = _N // _R
_F = _N * _S
_CAP = 24576
_NEG_I = -2147483648
_HI = lax.Precision.HIGHEST


def _p1_body(seg_ref, ne_ref, W_ref, b_ref, ws_ref,
             logits_ref, stop_ref, starts_ref, seg_sum, counts):
    i = pl.program_id(0)
    blk = ne_ref[...]
    logits_ref[...] = jnp.dot(blk, W_ref[...]) + b_ref[0:1, :]
    seg_row = seg_ref[0]
    gi = lax.broadcasted_iota(jnp.int32, (_G, _R), 0)
    onehot = (gi == seg_row).astype(jnp.float32)

    @pl.when(i == 0)
    def _():
        seg_sum[...] = jnp.zeros_like(seg_sum)
        counts[...] = jnp.zeros_like(counts)

    seg_sum[...] += jnp.dot(onehot, blk)
    counts[...] += jnp.sum(onehot, axis=1, keepdims=True)

    @pl.when(i == _NB - 1)
    def _():
        c = counts[...]
        seg_mean = seg_sum[...] / jnp.maximum(c, 1.0)
        stop_ref[...] = jnp.dot(seg_mean, ws_ref[...], precision=_HI)
        jj = lax.broadcasted_iota(jnp.int32, (2 * _G, _G), 0)
        gg = lax.broadcasted_iota(jnp.int32, (2 * _G, _G), 1)
        tri = (gg < jj).astype(jnp.float32)
        starts_ref[...] = jnp.dot(tri, c, precision=_HI).astype(jnp.int32)


def _make_phase1(interpret=False):
    return pl.pallas_call(
        _p1_body,
        grid=(_NB,),
        in_specs=[
            pl.BlockSpec((1, 1, _R), lambda i: (i, 0, 0)),
            pl.BlockSpec((_R, _D), lambda i: (i, 0)),
            pl.BlockSpec((_D, _S), lambda i: (0, 0)),
            pl.BlockSpec((1, _S), lambda i: (0, 0)),
            pl.BlockSpec((_D, 1), lambda i: (0, 0)),
        ],
        out_specs=[
            pl.BlockSpec((_R, _S), lambda i: (i, 0)),
            pl.BlockSpec((_G, 1), lambda i: (0, 0)),
            pl.BlockSpec((2 * _G, 1), lambda i: (0, 0)),
        ],
        out_shape=[
            jax.ShapeDtypeStruct((_N, _S), jnp.float32),
            jax.ShapeDtypeStruct((_G, 1), jnp.float32),
            jax.ShapeDtypeStruct((2 * _G, 1), jnp.int32),
        ],
        scratch_shapes=[
            pltpu.VMEM((_G, _D), jnp.float32),
            pltpu.VMEM((_G, 1), jnp.float32),
        ],
        interpret=interpret,
    )


def _sget(ref, i):
    return ref[pl.ds(i, 16)][0]


def _p2_body(lg_hbm, gm_hbm, st_hbm, sl_hbm,
             probs_hbm, sp_hbm, fo_hbm, tg_hbm,
             lg_v, gm_v, st_v, sl_v, sp_v, fo_v, tg_v, sem1, sem2):
    cid = lax.axis_index("c")
    sid = lax.axis_index("s")
    wid = sid * 2 + cid
    g0 = wid * 16
    st_off = pl.multiple_of(jnp.maximum(g0 - 8, 0), 8)
    pltpu.sync_copy(st_hbm.at[pl.ds(st_off, 32)], st_v.at[pl.ds(0, 32)])
    pltpu.sync_copy(sl_hbm.at[pl.ds(st_off, 24)], sl_v.at[pl.ds(0, 24)])
    s_prev = _sget(st_v, jnp.maximum(g0 - 1, 0) - st_off)
    fa = pl.multiple_of(jnp.minimum((5 * s_prev >> 3) << 3, _F - _CAP), 8)
    c1 = pltpu.async_copy(lg_hbm.at[pl.ds(fa, _CAP)], lg_v.at[pl.ds(0, _CAP)], sem1)
    c2 = pltpu.async_copy(gm_hbm.at[pl.ds(fa, _CAP)], gm_v.at[pl.ds(0, _CAP)], sem2)
    c1.wait()
    c2.wait()
    iota = lax.iota(jnp.int32, 16)
    zf = jnp.zeros((16,), jnp.float32)

    def expall(k, z):
        for j in range(4):
            off = 64 * k + 16 * j
            lg_v[pl.ds(off, 16)] = jnp.exp(lg_v[pl.ds(off, 16)])
            gm_v[pl.ds(off, 16)] = jnp.exp(gm_v[pl.ds(off, 16)])
        return z

    lax.fori_loop(0, _CAP // 64, expall, 0)

    def seg_body(t, carry):
        sp_acc, fo_acc, tg_acc = carry
        g = g0 - 1 + t
        a = 5 * _sget(st_v, g - st_off)
        b5 = 5 * _sget(st_v, g + 1 - st_off)
        ln = b5 - a
        base = a - fa
        nch = (ln + 63) >> 6

        def p1(k, acc):
            o0 = base + 64 * k
            r0 = ln - 64 * k
            for j in range(4):
                e = lg_v[pl.ds(o0 + 16 * j, 16)]
                m = iota < (r0 - 16 * j)
                acc = acc + jnp.where(m, e, 0.0)
            return acc

        acc = lax.fori_loop(0, nch, p1, zf)
        sl = _sget(sl_v, g - st_off)
        esv = jnp.exp(jnp.broadcast_to(sl, (16,)))
        es = jnp.max(esv)
        denv = jnp.broadcast_to(jnp.sum(acc) + es, (16,))
        drv = 1.0 / denv

        def p2(k, c2):
            vm, vi = c2
            o0 = base + 64 * k
            r0 = ln - 64 * k
            for j in range(4):
                off = o0 + 16 * j
                e = lg_v[pl.ds(off, 16)]
                eg = gm_v[pl.ds(off, 16)]
                m = iota < (r0 - 16 * j)
                p = e * drv
                lg_v[pl.ds(off, 16)] = jnp.where(m, p, e)
                sc = jnp.where(m, (p + 1e-9) * eg, 0.0)
                idxv = a + 64 * k + 16 * j + iota
                upd = sc >= vm
                vm = jnp.where(upd, sc, vm)
                vi = jnp.where(upd, idxv, vi)
            return (vm, vi)

        vm, vi = lax.fori_loop(
            0, nch, p2,
            (jnp.full((16,), -1.0, jnp.float32), jnp.full((16,), -1, jnp.int32)))
        M = jnp.max(vm)
        fs = jnp.max(jnp.where(vm == M, vi, -1))
        n0 = (fs.astype(jnp.float32) * 0.2).astype(jnp.int32)
        n0 = n0 - jnp.where(fs < 5 * n0, 1, 0)
        ssp = fs - 5 * n0
        nonempty = b5 > a
        lane = iota == (t - 1)
        sp_acc = jnp.where(lane, esv / denv, sp_acc)
        fo_acc = jnp.where(lane, jnp.where(nonempty, n0, _NEG_I), fo_acc)
        tg_acc = jnp.where(lane, jnp.where(nonempty, ssp, 0), tg_acc)
        return (sp_acc, fo_acc, tg_acc)

    t0 = jnp.where(wid == 0, 1, 0)
    sp_acc, fo_acc, tg_acc = lax.fori_loop(
        t0, 17, seg_body,
        (zf, jnp.zeros((16,), jnp.int32), jnp.zeros((16,), jnp.int32)))

    sp_v[...] = sp_acc
    fo_v[...] = fo_acc
    tg_v[...] = tg_acc
    g0a = pl.multiple_of(g0, 8)
    pltpu.sync_copy(sp_v, sp_hbm.at[pl.ds(g0a, 16)])
    pltpu.sync_copy(fo_v, fo_hbm.at[pl.ds(g0a, 16)])
    pltpu.sync_copy(tg_v, tg_hbm.at[pl.ds(g0a, 16)])

    a_own = 5 * _sget(st_v, g0 - st_off)
    b_own = 5 * _sget(st_v, g0 + 16 - st_off)
    blo = pl.multiple_of((a_own >> 3) << 3, 8)
    bhi = pl.multiple_of((b_own >> 3) << 3, 8)
    lb = bhi - blo
    nbig = lb >> 11

    def big(k, z):
        pltpu.sync_copy(lg_v.at[pl.ds(pl.multiple_of(blo - fa + (k << 11), 8), 2048)],
                        probs_hbm.at[pl.ds(pl.multiple_of(blo + (k << 11), 8), 2048)])
        return z

    lax.fori_loop(0, nbig, big, 0)
    rem = lb - (nbig << 11)

    @pl.when((rem > 0) & (nbig > 0))
    def _():
        pltpu.sync_copy(lg_v.at[pl.ds(pl.multiple_of(bhi - fa - 2048, 8), 2048)],
                        probs_hbm.at[pl.ds(pl.multiple_of(bhi - 2048, 8), 2048)])

    nsm = jnp.where(nbig == 0, rem >> 3, 0)

    def small(k, z):
        pltpu.sync_copy(lg_v.at[pl.ds(pl.multiple_of(blo - fa + (k << 3), 8), 8)],
                        probs_hbm.at[pl.ds(pl.multiple_of(blo + (k << 3), 8), 8)])
        return z

    lax.fori_loop(0, nsm, small, 0)


def _make_phase2(interpret=False):
    mesh = plsc.VectorSubcoreMesh(core_axis_name="c", subcore_axis_name="s",
                                  num_cores=2, num_subcores=16)
    return pl.kernel(
        _p2_body,
        out_type=(jax.ShapeDtypeStruct((_F,), jnp.float32),
                  jax.ShapeDtypeStruct((_G,), jnp.float32),
                  jax.ShapeDtypeStruct((_G,), jnp.int32),
                  jax.ShapeDtypeStruct((_G,), jnp.int32)),
        mesh=mesh,
        compiler_params=pltpu.CompilerParams(needs_layout_passes=False),
        scratch_types=[
            pltpu.VMEM((_CAP + 96,), jnp.float32),
            pltpu.VMEM((_CAP + 96,), jnp.float32),
            pltpu.VMEM((48,), jnp.int32),
            pltpu.VMEM((40,), jnp.float32),
            pltpu.VMEM((16,), jnp.float32),
            pltpu.VMEM((16,), jnp.int32),
            pltpu.VMEM((16,), jnp.int32),
            pltpu.SemaphoreType.DMA,
            pltpu.SemaphoreType.DMA,
        ],
        interpret=interpret,
    )


@functools.cache
def _phases():
    return _make_phase1(), _make_phase2()


def kernel(node_embeddings, segment_ids, W_species, b_species, w_stop):
    _phase1, _phase2 = _phases()
    seg3 = segment_ids.reshape(_NB, 1, _R)
    logits, stop, starts = _phase1(
        seg3, node_embeddings, W_species,
        b_species.reshape(1, _S), w_stop.reshape(_D, 1))
    gumbel_f = jax.random.gumbel(jax.random.key(42), (_F,), dtype=jnp.float32)
    starts_f = starts.reshape(-1)
    probs_f, stop_probs, focus, tgt0 = _phase2(
        logits.reshape(-1), gumbel_f, starts_f, stop.reshape(-1))
    probs = probs_f.reshape(_N, _S)
    counts = starts_f[1:_G + 1] - starts_f[:_G]
    node0 = jnp.argmax((probs[0] + 1e-9) * jnp.exp(gumbel_f[:_S])).astype(jnp.int32)
    target = jnp.where(counts > 0, tgt0, node0)
    return probs, stop_probs, focus, target

# --- scband reference (transcript-rebuilt; emitter-appended) ---
"""Pipeline reference for scband-predictor-27281632264786 (READ-ONLY COPY).

The authoritative reference and input builder live on the scoring server;
editing this copy changes nothing except your own understanding.
"""

import jax, jax.numpy as jnp
import numpy as np

N = 100000   # total nodes across all padded fragments
G = 512      # number of graphs (fragments) in the batch
D = 128      # node embedding dim
S = 5        # num_species


def setup_inputs(seed: int = 0) -> dict:
    key = jax.random.key(seed)
    k1, k2, k3, k4 = jax.random.split(key, 4)
    node_embeddings = jax.random.normal(k1, (N, D), dtype=jnp.float32)
    segment_ids = jnp.sort(jax.random.randint(k2, (N,), 0, G)).astype(jnp.int32)
    W_species = (jax.random.normal(k3, (D, S), dtype=jnp.float32) * 0.05)
    b_species = jnp.zeros((S,), dtype=jnp.float32)
    w_stop = (jax.random.normal(k4, (D,), dtype=jnp.float32) * 0.05)
    return {
        "node_embeddings": node_embeddings,
        "segment_ids": segment_ids,
        "W_species": W_species,
        "b_species": b_species,
        "w_stop": w_stop,
    }


def _segment_softmax_2d_with_stop(logits, stop_logits, seg, num_segments):
    # per-graph max over (node, species) entries and the stop logit
    node_max = jax.ops.segment_max(jnp.max(logits, axis=-1), seg, num_segments=num_segments)
    overall_max = jnp.maximum(node_max, stop_logits)
    shifted = logits - overall_max[seg][:, None]
    exp_logits = jnp.exp(shifted)
    exp_stop = jnp.exp(stop_logits - overall_max)
    denom = jax.ops.segment_sum(jnp.sum(exp_logits, axis=-1), seg, num_segments=num_segments) + exp_stop
    probs = exp_logits / denom[seg][:, None]
    stop_probs = exp_stop / denom
    return probs, stop_probs


def reference(node_embeddings, segment_ids, W_species, b_species, w_stop):
    seg = segment_ids
    inverse_temperature = 1.0
    # focus-and-target-species logits per node
    logits = (node_embeddings @ W_species + b_species) * inverse_temperature  # [N, S]
    # global stop logit per graph from segment-mean pooled embeddings
    seg_sum = jax.ops.segment_sum(node_embeddings, seg, num_segments=G)
    counts = jax.ops.segment_sum(jnp.ones((N,), dtype=jnp.float32), seg, num_segments=G)
    seg_mean = seg_sum / jnp.maximum(counts, 1.0)[:, None]
    stop_logits = (seg_mean @ w_stop) * inverse_temperature  # [G]
    # segment softmax over all (node, species) pairs of each graph, with stop
    probs, stop_probs = _segment_softmax_2d_with_stop(logits, stop_logits, seg, G)
    # segment_sample_2D: Gumbel-max sampling of (focus node, target species) per graph
    gkey = jax.random.key(42)
    gumbel = jax.random.gumbel(gkey, (N, S), dtype=jnp.float32)
    scores = jnp.log(probs + 1e-9) + gumbel
    node_best = jnp.max(scores, axis=-1)          # [N]
    node_species = jnp.argmax(scores, axis=-1)    # [N]
    seg_best = jax.ops.segment_max(node_best, seg, num_segments=G)  # [G]
    is_best = node_best >= (seg_best[seg] - 1e-12)
    node_idx = jnp.arange(N, dtype=jnp.int32)
    focus_indices = jax.ops.segment_max(jnp.where(is_best, node_idx, -1), seg, num_segments=G)
    focus_clipped = jnp.clip(focus_indices, 0, N - 1)
    target_species = node_species[focus_clipped].astype(jnp.int32)
    return probs, stop_probs, focus_indices, target_species

if __name__ == "__main__":
    import jax
    _d = setup_inputs()
    print(jax.jit(kernel)(*tuple(_d.values())))

</pallas_src>

<mosaic_0001>
#map = affine_map<(d0, d1) -> (0)>
module attributes {stable_mosaic.version = 14 : i64} {
  func.func @_p2_body(%arg0: i32, %arg1: i32, %arg2: memref<500000xf32, #tpu.memory_space<hbm>>, %arg3: memref<500000xf32, #tpu.memory_space<hbm>>, %arg4: memref<1024xi32, #tpu.memory_space<hbm>>, %arg5: memref<512xf32, #tpu.memory_space<hbm>>, %arg6: memref<500000xf32, #tpu.memory_space<hbm>>, %arg7: memref<512xf32, #tpu.memory_space<hbm>>, %arg8: memref<512xi32, #tpu.memory_space<hbm>>, %arg9: memref<512xi32, #tpu.memory_space<hbm>>, %arg10: memref<24672xf32, #tpu.memory_space<vmem>>, %arg11: memref<24672xf32, #tpu.memory_space<vmem>>, %arg12: memref<48xi32, #tpu.memory_space<vmem>>, %arg13: memref<40xf32, #tpu.memory_space<vmem>>, %arg14: memref<16xf32, #tpu.memory_space<vmem>>, %arg15: memref<16xi32, #tpu.memory_space<vmem>>, %arg16: memref<16xi32, #tpu.memory_space<vmem>>, %arg17: memref<!tpu.dma_semaphore, #tpu.memory_space<semaphore_mem>>, %arg18: memref<!tpu.dma_semaphore, #tpu.memory_space<semaphore_mem>>) attributes {dimension_semantics = [#tpu.dimension_semantics<core_parallel>, #tpu.dimension_semantics<subcore_parallel>], iteration_bounds = array<i64: 2, 16>, scalar_prefetch = 0 : i64, scratch_operands = 9 : i64, tpu.core_type = #tpu.core_type<sc_vector_subcore>, window_params = [{transform_indices = #map}, {transform_indices = #map}, {transform_indices = #map}, {transform_indices = #map}, {transform_indices = #map}, {transform_indices = #map}, {transform_indices = #map}, {transform_indices = #map}]} {
    %mul3A = arith.constant 2 : i32
    %mul3A_0 = arith.muli %arg1, %mul3A : i32
    %add3A = arith.addi %mul3A_0, %arg0 : i32
    %mul3A_1 = arith.constant 16 : i32
    %mul3A_2 = arith.muli %add3A, %mul3A_1 : i32
    %sub3A = arith.constant 8 : i32
    %sub3A_3 = arith.subi %mul3A_2, %sub3A : i32
    %max3A = arith.constant 0 : i32
    %max3A_4 = arith.maxsi %sub3A_3, %max3A : i32
    %multiple_of3A = tpu.assume_multiple %max3A_4, 8 : i32
    "tpu.region"() ({
      %run_scoped3A = tpu.sem_alloc : memref<!tpu.dma_semaphore, #tpu.memory_space<semaphore_mem>>
      %dma_start3A_129 = arith.constant 0 : i32
      %dma_start3A_130 = tpu.memref_slice %arg12[%dma_start3A_129] : memref<48xi32, #tpu.memory_space<vmem>> -> memref<32xi32, #tpu.memory_space<vmem>>
      %dma_start3A_131 = tpu.memref_slice %arg4[%multiple_of3A] : memref<1024xi32, #tpu.memory_space<hbm>> -> memref<32xi32, #tpu.memory_space<hbm>>
      %dma_start3A_132 = arith.constant 0 : i32
      %dma_start3A_133 = tpu.memref_slice %arg12[%dma_start3A_132] : memref<48xi32, #tpu.memory_space<vmem>> -> memref<32xi32, #tpu.memory_space<vmem>>
      %dma_start3A_134 = tpu.memref_slice %arg4[%multiple_of3A] : memref<1024xi32, #tpu.memory_space<hbm>> -> memref<32xi32, #tpu.memory_space<hbm>>
      tpu.enqueue_dma source(%dma_start3A_134 : memref<32xi32, #tpu.memory_space<hbm>>) target(%dma_start3A_133 : memref<32xi32, #tpu.memory_space<vmem>>) target_semaphore(%run_scoped3A : memref<!tpu.dma_semaphore, #tpu.memory_space<semaphore_mem>>)
      %dma_wait3A_135 = arith.constant 0 : i32
      %dma_wait3A_136 = tpu.memref_slice %arg12[%dma_wait3A_135] : memref<48xi32, #tpu.memory_space<vmem>> -> memref<32xi32, #tpu.memory_space<vmem>>
      %dma_wait3A_137 = tpu.memref_slice %arg4[%multiple_of3A] : memref<1024xi32, #tpu.memory_space<hbm>> -> memref<32xi32, #tpu.memory_space<hbm>>
      %dma_wait3A_138 = arith.constant 0 : i32
      %dma_wait3A_139 = tpu.memref_slice %arg12[%dma_wait3A_138] : memref<48xi32, #tpu.memory_space<vmem>> -> memref<32xi32, #tpu.memory_space<vmem>>
      %dma_wait3A_140 = tpu.memref_slice %arg4[%multiple_of3A] : memref<1024xi32, #tpu.memory_space<hbm>> -> memref<32xi32, #tpu.memory_space<hbm>>
      tpu.wait_dma2 semaphore(%run_scoped3A : memref<!tpu.dma_semaphore, #tpu.memory_space<semaphore_mem>>) src(%dma_wait3A_140 : memref<32xi32, #tpu.memory_space<hbm>>) dst(%dma_wait3A_139 : memref<32xi32, #tpu.memory_space<vmem>>)
      tpu.yield
    }) : () -> ()
    "tpu.region"() ({
      %run_scoped3A = tpu.sem_alloc : memref<!tpu.dma_semaphore, #tpu.memory_space<semaphore_mem>>
      %dma_start3A_129 = arith.constant 0 : i32
      %dma_start3A_130 = tpu.memref_slice %arg13[%dma_start3A_129] : memref<40xf32, #tpu.memory_space<vmem>> -> memref<24xf32, #tpu.memory_space<vmem>>
      %dma_start3A_131 = tpu.memref_slice %arg5[%multiple_of3A] : memref<512xf32, #tpu.memory_space<hbm>> -> memref<24xf32, #tpu.memory_space<hbm>>
      %dma_start3A_132 = arith.constant 0 : i32
      %dma_start3A_133 = tpu.memref_slice %arg13[%dma_start3A_132] : memref<40xf32, #tpu.memory_space<vmem>> -> memref<24xf32, #tpu.memory_space<vmem>>
      %dma_start3A_134 = tpu.memref_slice %arg5[%multiple_of3A] : memref<512xf32, #tpu.memory_space<hbm>> -> memref<24xf32, #tpu.memory_space<hbm>>
      tpu.enqueue_dma source(%dma_start3A_134 : memref<24xf32, #tpu.memory_space<hbm>>) target(%dma_start3A_133 : memref<24xf32, #tpu.memory_space<vmem>>) target_semaphore(%run_scoped3A : memref<!tpu.dma_semaphore, #tpu.memory_space<semaphore_mem>>)
      %dma_wait3A_135 = arith.constant 0 : i32
      %dma_wait3A_136 = tpu.memref_slice %arg13[%dma_wait3A_135] : memref<40xf32, #tpu.memory_space<vmem>> -> memref<24xf32, #tpu.memory_space<vmem>>
      %dma_wait3A_137 = tpu.memref_slice %arg5[%multiple_of3A] : memref<512xf32, #tpu.memory_space<hbm>> -> memref<24xf32, #tpu.memory_space<hbm>>
      %dma_wait3A_138 = arith.constant 0 : i32
      %dma_wait3A_139 = tpu.memref_slice %arg13[%dma_wait3A_138] : memref<40xf32, #tpu.memory_space<vmem>> -> memref<24xf32, #tpu.memory_space<vmem>>
      %dma_wait3A_140 = tpu.memref_slice %arg5[%multiple_of3A] : memref<512xf32, #tpu.memory_space<hbm>> -> memref<24xf32, #tpu.memory_space<hbm>>
      tpu.wait_dma2 semaphore(%run_scoped3A : memref<!tpu.dma_semaphore, #tpu.memory_space<semaphore_mem>>) src(%dma_wait3A_140 : memref<24xf32, #tpu.memory_space<hbm>>) dst(%dma_wait3A_139 : memref<24xf32, #tpu.memory_space<vmem>>)
      tpu.yield
    }) : () -> ()
    %sub3A_5 = arith.constant 1 : i32
    %sub3A_6 = arith.subi %mul3A_2, %sub3A_5 : i32
    %max3A_7 = arith.constant 0 : i32
    %max3A_8 = arith.maxsi %sub3A_6, %max3A_7 : i32
    %sub3A_9 = arith.subi %max3A_8, %multiple_of3A : i32
    %get3A = arith.index_cast %sub3A_9 : i32 to index
    %get3A_10 = tpu.vector_load %arg12[%get3A] {strides = array<i32>} : memref<48xi32, #tpu.memory_space<vmem>>, vector<16xi32>,
    %slice3A = vector.extract_strided_slice %get3A_10 {offsets = [0], sizes = [1], strides = [1]} : vector<16xi32> to vector<1xi32>
    %squeeze3A = vector.extract %slice3A[0] : i32 from vector<1xi32>
    %mul3A_11 = arith.constant 5 : i32
    %mul3A_12 = arith.muli %mul3A_11, %squeeze3A : i32
    %shift_right_arithmetic3A = arith.constant 3 : i32
    %shift_right_arithmetic3A_13 = arith.shrsi %mul3A_12, %shift_right_arithmetic3A : i32
    %shift_left3A = arith.constant 3 : i32
    %shift_left3A_14 = arith.shli %shift_right_arithmetic3A_13, %shift_left3A : i32
    %min3A = arith.constant 475424 : i32
    %min3A_15 = arith.minsi %shift_left3A_14, %min3A : i32
    %multiple_of3A_16 = tpu.assume_multiple %min3A_15, 8 : i32
    %dma_start3A = arith.constant 0 : i32
    %dma_start3A_17 = tpu.memref_slice %arg10[%dma_start3A] : memref<24672xf32, #tpu.memory_space<vmem>> -> memref<24576xf32, #tpu.memory_space<vmem>>
    %dma_start3A_18 = tpu.memref_slice %arg2[%multiple_of3A_16] : memref<500000xf32, #tpu.memory_space<hbm>> -> memref<24576xf32, #tpu.memory_space<hbm>>
    %dma_start3A_19 = arith.constant 0 : i32
    %dma_start3A_20 = tpu.memref_slice %arg10[%dma_start3A_19] : memref<24672xf32, #tpu.memory_space<vmem>> -> memref<24576xf32, #tpu.memory_space<vmem>>
    %dma_start3A_21 = tpu.memref_slice %arg2[%multiple_of3A_16] : memref<500000xf32, #tpu.memory_space<hbm>> -> memref<24576xf32, #tpu.memory_space<hbm>>
    tpu.enqueue_dma source(%dma_start3A_21 : memref<24576xf32, #tpu.memory_space<hbm>>) target(%dma_start3A_20 : memref<24576xf32, #tpu.memory_space<vmem>>) target_semaphore(%arg17 : memref<!tpu.dma_semaphore, #tpu.memory_space<semaphore_mem>>)
    %dma_start3A_22 = arith.constant 0 : i32
    %dma_start3A_23 = tpu.memref_slice %arg11[%dma_start3A_22] : memref<24672xf32, #tpu.memory_space<vmem>> -> memref<24576xf32, #tpu.memory_space<vmem>>
    %dma_start3A_24 = tpu.memref_slice %arg3[%multiple_of3A_16] : memref<500000xf32, #tpu.memory_space<hbm>> -> memref<24576xf32, #tpu.memory_space<hbm>>
    %dma_start3A_25 = arith.constant 0 : i32
    %dma_start3A_26 = tpu.memref_slice %arg11[%dma_start3A_25] : memref<24672xf32, #tpu.memory_space<vmem>> -> memref<24576xf32, #tpu.memory_space<vmem>>
    %dma_start3A_27 = tpu.memref_slice %arg3[%multiple_of3A_16] : memref<500000xf32, #tpu.memory_space<hbm>> -> memref<24576xf32, #tpu.memory_space<hbm>>
    tpu.enqueue_dma source(%dma_start3A_27 : memref<24576xf32, #tpu.memory_space<hbm>>) target(%dma_start3A_26 : memref<24576xf32, #tpu.memory_space<vmem>>) target_semaphore(%arg18 : memref<!tpu.dma_semaphore, #tpu.memory_space<semaphore_mem>>)
    %dma_wait3A = arith.constant 0 : i32
    %dma_wait3A_28 = tpu.memref_slice %arg10[%dma_wait3A] : memref<24672xf32, #tpu.memory_space<vmem>> -> memref<24576xf32, #tpu.memory_space<vmem>>
    %dma_wait3A_29 = tpu.memref_slice %arg2[%multiple_of3A_16] : memref<500000xf32, #tpu.memory_space<hbm>> -> memref<24576xf32, #tpu.memory_space<hbm>>
    %dma_wait3A_30 = arith.constant 0 : i32
    %dma_wait3A_31 = tpu.memref_slice %arg10[%dma_wait3A_30] : memref<24672xf32, #tpu.memory_space<vmem>> -> memref<24576xf32, #tpu.memory_space<vmem>>
    %dma_wait3A_32 = tpu.memref_slice %arg2[%multiple_of3A_16] : memref<500000xf32, #tpu.memory_space<hbm>> -> memref<24576xf32, #tpu.memory_space<hbm>>
    tpu.wait_dma2 semaphore(%arg17 : memref<!tpu.dma_semaphore, #tpu.memory_space<semaphore_mem>>) src(%dma_wait3A_32 : memref<24576xf32, #tpu.memory_space<hbm>>) dst(%dma_wait3A_31 : memref<24576xf32, #tpu.memory_space<vmem>>)
    %dma_wait3A_33 = arith.constant 0 : i32
    %dma_wait3A_34 = tpu.memref_slice %arg11[%dma_wait3A_33] : memref<24672xf32, #tpu.memory_space<vmem>> -> memref<24576xf32, #tpu.memory_space<vmem>>
    %dma_wait3A_35 = tpu.memref_slice %arg3[%multiple_of3A_16] : memref<500000xf32, #tpu.memory_space<hbm>> -> memref<24576xf32, #tpu.memory_space<hbm>>
    %dma_wait3A_36 = arith.constant 0 : i32
    %dma_wait3A_37 = tpu.memref_slice %arg11[%dma_wait3A_36] : memref<24672xf32, #tpu.memory_space<vmem>> -> memref<24576xf32, #tpu.memory_space<vmem>>
    %dma_wait3A_38 = tpu.memref_slice %arg3[%multiple_of3A_16] : memref<500000xf32, #tpu.memory_space<hbm>> -> memref<24576xf32, #tpu.memory_space<hbm>>
    tpu.wait_dma2 semaphore(%arg18 : memref<!tpu.dma_semaphore, #tpu.memory_space<semaphore_mem>>) src(%dma_wait3A_38 : memref<24576xf32, #tpu.memory_space<hbm>>) dst(%dma_wait3A_37 : memref<24576xf32, #tpu.memory_space<vmem>>)
    %iota3A = tpu.iota {dimensions = array<i32: 0>} : vector<16xi32>
    %broadcast_in_dim3A = arith.constant 0.000000e+00 : f32
    %broadcast_in_dim3A_39 = vector.broadcast %broadcast_in_dim3A : f32 to vector<16xf32>
    %scan3A = arith.constant 0 : i32
    %scan3A_40 = arith.constant 0 : i32
    %scan3A_41 = arith.constant 384 : i32
    %scan3A_42 = arith.addi %scan3A_40, %scan3A_41 : i32
    %scan3A_43 = arith.constant 1 : i32
    scf.for %scan3A_129 = %scan3A_40 to %scan3A_42 step %scan3A_43  : i32 {
      %mul3A_130 = arith.constant 64 : i32
      %mul3A_131 = arith.muli %mul3A_130, %scan3A_129 : i32
      %add3A_132 = arith.constant 0 : i32
      %add3A_133 = arith.addi %mul3A_131, %add3A_132 : i32
      %get3A_134 = arith.index_cast %add3A_133 : i32 to index
      %get3A_135 = tpu.vector_load %arg10[%get3A_134] {strides = array<i32>} : memref<24672xf32, #tpu.memory_space<vmem>>, vector<16xf32>,
      %exp3A = math.exp %get3A_135 : vector<16xf32>
      %swap3A_136 = arith.index_cast %add3A_133 : i32 to index
      %swap3A_137 = tpu.vector_load %arg10[%swap3A_136] {strides = array<i32>} : memref<24672xf32, #tpu.memory_space<vmem>>, vector<16xf32>,
      tpu.vector_store %arg10[%swap3A_136], %exp3A {strides = array<i32>} : memref<24672xf32, #tpu.memory_space<vmem>>, vector<16xf32>,
      %get3A_138 = arith.index_cast %add3A_133 : i32 to index
      %get3A_139 = tpu.vector_load %arg11[%get3A_138] {strides = array<i32>} : memref<24672xf32, #tpu.memory_space<vmem>>, vector<16xf32>,
      %exp3A_140 = math.exp %get3A_139 : vector<16xf32>
      %swap3A_141 = arith.index_cast %add3A_133 : i32 to index
      %swap3A_142 = tpu.vector_load %arg11[%swap3A_141] {strides = array<i32>} : memref<24672xf32, #tpu.memory_space<vmem>>, vector<16xf32>,
      tpu.vector_store %arg11[%swap3A_141], %exp3A_140 {strides = array<i32>} : memref<24672xf32, #tpu.memory_space<vmem>>, vector<16xf32>,
      %mul3A_143 = arith.constant 64 : i32
      %mul3A_144 = arith.muli %mul3A_143, %scan3A_129 : i32
      %add3A_145 = arith.constant 16 : i32
      %add3A_146 = arith.addi %mul3A_144, %add3A_145 : i32
      %get3A_147 = arith.index_cast %add3A_146 : i32 to index
      %get3A_148 = tpu.vector_load %arg10[%get3A_147] {strides = array<i32>} : memref<24672xf32, #tpu.memory_space<vmem>>, vector<16xf32>,
      %exp3A_149 = math.exp %get3A_148 : vector<16xf32>
      %swap3A_150 = arith.index_cast %add3A_146 : i32 to index
      %swap3A_151 = tpu.vector_load %arg10[%swap3A_150] {strides = array<i32>} : memref<24672xf32, #tpu.memory_space<vmem>>, vector<16xf32>,
      tpu.vector_store %arg10[%swap3A_150], %exp3A_149 {strides = array<i32>} : memref<24672xf32, #tpu.memory_space<vmem>>, vector<16xf32>,
      %get3A_152 = arith.index_cast %add3A_146 : i32 to index
      %get3A_153 = tpu.vector_load %arg11[%get3A_152] {strides = array<i32>} : memref<24672xf32, #tpu.memory_space<vmem>>, vector<16xf32>,
      %exp3A_154 = math.exp %get3A_153 : vector<16xf32>
      %swap3A_155 = arith.index_cast %add3A_146 : i32 to index
      %swap3A_156 = tpu.vector_load %arg11[%swap3A_155] {strides = array<i32>} : memref<24672xf32, #tpu.memory_space<vmem>>, vector<16xf32>,
      tpu.vector_store %arg11[%swap3A_155], %exp3A_154 {strides = array<i32>} : memref<24672xf32, #tpu.memory_space<vmem>>, vector<16xf32>,
      %mul3A_157 = arith.constant 64 : i32
      %mul3A_158 = arith.muli %mul3A_157, %scan3A_129 : i32
      %add3A_159 = arith.constant 32 : i32
      %add3A_160 = arith.addi %mul3A_158, %add3A_159 : i32
      %get3A_161 = arith.index_cast %add3A_160 : i32 to index
      %get3A_162 = tpu.vector_load %arg10[%get3A_161] {strides = array<i32>} : memref<24672xf32, #tpu.memory_space<vmem>>, vector<16xf32>,
      %exp3A_163 = math.exp %get3A_162 : vector<16xf32>
      %swap3A_164 = arith.index_cast %add3A_160 : i32 to index
      %swap3A_165 = tpu.vector_load %arg10[%swap3A_164] {strides = array<i32>} : memref<24672xf32, #tpu.memory_space<vmem>>, vector<16xf32>,
      tpu.vector_store %arg10[%swap3A_164], %exp3A_163 {strides = array<i32>} : memref<24672xf32, #tpu.memory_space<vmem>>, vector<16xf32>,
      %get3A_166 = arith.index_cast %add3A_160 : i32 to index
      %get3A_167 = tpu.vector_load %arg11[%get3A_166] {strides = array<i32>} : memref<24672xf32, #tpu.memory_space<vmem>>, vector<16xf32>,
      %exp3A_168 = math.exp %get3A_167 : vector<16xf32>
      %swap3A_169 = arith.index_cast %add3A_160 : i32 to index
      %swap3A_170 = tpu.vector_load %arg11[%swap3A_169] {strides = array<i32>} : memref<24672xf32, #tpu.memory_space<vmem>>, vector<16xf32>,
      tpu.vector_store %arg11[%swap3A_169], %exp3A_168 {strides = array<i32>} : memref<24672xf32, #tpu.memory_space<vmem>>, vector<16xf32>,
      %mul3A_171 = arith.constant 64 : i32
      %mul3A_172 = arith.muli %mul3A_171, %scan3A_129 : i32
      %add3A_173 = arith.constant 48 : i32
      %add3A_174 = arith.addi %mul3A_172, %add3A_173 : i32
      %get3A_175 = arith.index_cast %add3A_174 : i32 to index
      %get3A_176 = tpu.vector_load %arg10[%get3A_175] {strides = array<i32>} : memref<24672xf32, #tpu.memory_space<vmem>>, vector<16xf32>,
      %exp3A_177 = math.exp %get3A_176 : vector<16xf32>
      %swap3A_178 = arith.index_cast %add3A_174 : i32 to index
      %swap3A_179 = tpu.vector_load %arg10[%swap3A_178] {strides = array<i32>} : memref<24672xf32, #tpu.memory_space<vmem>>, vector<16xf32>,
      tpu.vector_store %arg10[%swap3A_178], %exp3A_177 {strides = array<i32>} : memref<24672xf32, #tpu.memory_space<vmem>>, vector<16xf32>,
      %get3A_180 = arith.index_cast %add3A_174 : i32 to index
      %get3A_181 = tpu.vector_load %arg11[%get3A_180] {strides = array<i32>} : memref<24672xf32, #tpu.memory_space<vmem>>, vector<16xf32>,
      %exp3A_182 = math.exp %get3A_181 : vector<16xf32>
      %swap3A_183 = arith.index_cast %add3A_174 : i32 to index
      %swap3A_184 = tpu.vector_load %arg11[%swap3A_183] {strides = array<i32>} : memref<24672xf32, #tpu.memory_space<vmem>>, vector<16xf32>,
      tpu.vector_store %arg11[%swap3A_183], %exp3A_182 {strides = array<i32>} : memref<24672xf32, #tpu.memory_space<vmem>>, vector<16xf32>,
    }
    %scan3A_44 = arith.constant 384 : i32
    %eq3A = arith.constant 0 : i32
    %eq3A_45 = arith.cmpi eq, %add3A, %eq3A : i32
    %jit3A = arith.constant 1 : i32
    %jit3A_46 = arith.constant 0 : i32
    %select_n3A = arith.select %eq3A_45, %jit3A, %jit3A_46 : i32
    %broadcast_in_dim3A_47 = arith.constant 0 : i32
    %broadcast_in_dim3A_48 = vector.broadcast %broadcast_in_dim3A_47 : i32 to vector<16xi32>
    %broadcast_in_dim3A_49 = arith.constant 0 : i32
    %broadcast_in_dim3A_50 = vector.broadcast %broadcast_in_dim3A_49 : i32 to vector<16xi32>
    %while3A = arith.constant 17 : i32
    %while3A_51 = arith.subi %while3A, %select_n3A : i32
    %while3A_52 = arith.addi %select_n3A, %while3A_51 : i32
    %while3A_53 = arith.constant 1 : i32
    %while3A_54 = arith.divsi %while3A_51, %while3A_53 : i32
    %while3A_55 = arith.muli %while3A_54, %while3A_53 : i32
    %while3A_56 = arith.addi %select_n3A, %while3A_55 : i32
    %while3A_57 = arith.constant 1 : i32
    %while3A_58:3 = scf.for %while3A_129 = %select_n3A to %while3A_56 step %while3A_57 iter_args(%while3A_130 = %broadcast_in_dim3A_39, %while3A_131 = %broadcast_in_dim3A_48, %while3A_132 = %broadcast_in_dim3A_50) -> (vector<16xf32>, vector<16xi32>, vector<16xi32>)  : i32 {
      %sub3A_133 = arith.constant 1 : i32
      %sub3A_134 = arith.subi %mul3A_2, %sub3A_133 : i32
      %add3A_135 = arith.addi %sub3A_134, %while3A_129 : i32
      %sub3A_136 = arith.subi %add3A_135, %multiple_of3A : i32
      %get3A_137 = arith.index_cast %sub3A_136 : i32 to index
      %get3A_138 = tpu.vector_load %arg12[%get3A_137] {strides = array<i32>} : memref<48xi32, #tpu.memory_space<vmem>>, vector<16xi32>,
      %slice3A_139 = vector.extract_strided_slice %get3A_138 {offsets = [0], sizes = [1], strides = [1]} : vector<16xi32> to vector<1xi32>
      %squeeze3A_140 = vector.extract %slice3A_139[0] : i32 from vector<1xi32>
      %mul3A_141 = arith.constant 5 : i32
      %mul3A_142 = arith.muli %mul3A_141, %squeeze3A_140 : i32
      %add3A_143 = arith.constant 1 : i32
      %add3A_144 = arith.addi %add3A_135, %add3A_143 : i32
      %sub3A_145 = arith.subi %add3A_144, %multiple_of3A : i32
      %get3A_146 = arith.index_cast %sub3A_145 : i32 to index
      %get3A_147 = tpu.vector_load %arg12[%get3A_146] {strides = array<i32>} : memref<48xi32, #tpu.memory_space<vmem>>, vector<16xi32>,
      %slice3A_148 = vector.extract_strided_slice %get3A_147 {offsets = [0], sizes = [1], strides = [1]} : vector<16xi32> to vector<1xi32>
      %squeeze3A_149 = vector.extract %slice3A_148[0] : i32 from vector<1xi32>
      %mul3A_150 = arith.constant 5 : i32
      %mul3A_151 = arith.muli %mul3A_150, %squeeze3A_149 : i32
      %sub3A_152 = arith.subi %mul3A_151, %mul3A_142 : i32
      %sub3A_153 = arith.subi %mul3A_142, %multiple_of3A_16 : i32
      %add3A_154 = arith.constant 63 : i32
      %add3A_155 = arith.addi %sub3A_152, %add3A_154 : i32
      %shift_right_arithmetic3A_156 = arith.constant 6 : i32
      %shift_right_arithmetic3A_157 = arith.shrsi %add3A_155, %shift_right_arithmetic3A_156 : i32
      %while3A_158 = arith.constant 0 : i32
      %while3A_159 = arith.subi %shift_right_arithmetic3A_157, %while3A_158 : i32
      %while3A_160 = arith.addi %while3A_158, %while3A_159 : i32
      %while3A_161 = arith.constant 1 : i32
      %while3A_162 = arith.divsi %while3A_159, %while3A_161 : i32
      %while3A_163 = arith.muli %while3A_162, %while3A_161 : i32
      %while3A_164 = arith.addi %while3A_158, %while3A_163 : i32
      %while3A_165 = arith.constant 1 : i32
      %while3A_166 = scf.for %while3A_245 = %while3A_158 to %while3A_164 step %while3A_165 iter_args(%while3A_246 = %broadcast_in_dim3A_39) -> (vector<16xf32>)  : i32 {
        %mul3A_247 = arith.constant 64 : i32
        %mul3A_248 = arith.muli %mul3A_247, %while3A_245 : i32
        %add3A_249 = arith.addi %sub3A_153, %mul3A_248 : i32
        %mul3A_250 = arith.constant 64 : i32
        %mul3A_251 = arith.muli %mul3A_250, %while3A_245 : i32
        %sub3A_252 = arith.subi %sub3A_152, %mul3A_251 : i32
        %add3A_253 = arith.constant 0 : i32
        %add3A_254 = arith.addi %add3A_249, %add3A_253 : i32
        %get3A_255 = arith.index_cast %add3A_254 : i32 to index
        %get3A_256 = tpu.vector_load %arg10[%get3A_255] {strides = array<i32>} : memref<24672xf32, #tpu.memory_space<vmem>>, vector<16xf32>,
        %sub3A_257 = arith.constant 0 : i32
        %sub3A_258 = arith.subi %sub3A_252, %sub3A_257 : i32
        %lt3A_259 = vector.broadcast %sub3A_258 : i32 to vector<16xi32>
        %lt3A_260 = arith.cmpi slt, %iota3A, %lt3A_259 : vector<16xi32>
        %jit3A_261 = arith.constant 0.000000e+00 : f32
        %broadcast_in_dim3A_262 = vector.broadcast %jit3A_261 : f32 to vector<16xf32>
        %select_n3A_263 = arith.select %lt3A_260, %get3A_256, %broadcast_in_dim3A_262 : vector<16xi1>, vector<16xf32>
        %add3A_264 = arith.addf %while3A_246, %select_n3A_263 : vector<16xf32>
        %add3A_265 = arith.constant 16 : i32
        %add3A_266 = arith.addi %add3A_249, %add3A_265 : i32
        %get3A_267 = arith.index_cast %add3A_266 : i32 to index
        %get3A_268 = tpu.vector_load %arg10[%get3A_267] {strides = array<i32>} : memref<24672xf32, #tpu.memory_space<vmem>>, vector<16xf32>,
        %sub3A_269 = arith.constant 16 : i32
        %sub3A_270 = arith.subi %sub3A_252, %sub3A_269 : i32
        %lt3A_271 = vector.broadcast %sub3A_270 : i32 to vector<16xi32>
        %lt3A_272 = arith.cmpi slt, %iota3A, %lt3A_271 : vector<16xi32>
        %jit3A_273 = arith.constant 0.000000e+00 : f32
        %broadcast_in_dim3A_274 = vector.broadcast %jit3A_273 : f32 to vector<16xf32>
        %select_n3A_275 = arith.select %lt3A_272, %get3A_268, %broadcast_in_dim3A_274 : vector<16xi1>, vector<16xf32>
        %add3A_276 = arith.addf %add3A_264, %select_n3A_275 : vector<16xf32>
        %add3A_277 = arith.constant 32 : i32
        %add3A_278 = arith.addi %add3A_249, %add3A_277 : i32
        %get3A_279 = arith.index_cast %add3A_278 : i32 to index
        %get3A_280 = tpu.vector_load %arg10[%get3A_279] {strides = array<i32>} : memref<24672xf32, #tpu.memory_space<vmem>>, vector<16xf32>,
        %sub3A_281 = arith.constant 32 : i32
        %sub3A_282 = arith.subi %sub3A_252, %sub3A_281 : i32
        %lt3A_283 = vector.broadcast %sub3A_282 : i32 to vector<16xi32>
        %lt3A_284 = arith.cmpi slt, %iota3A, %lt3A_283 : vector<16xi32>
        %jit3A_285 = arith.constant 0.000000e+00 : f32
        %broadcast_in_dim3A_286 = vector.broadcast %jit3A_285 : f32 to vector<16xf32>
        %select_n3A_287 = arith.select %lt3A_284, %get3A_280, %broadcast_in_dim3A_286 : vector<16xi1>, vector<16xf32>
        %add3A_288 = arith.addf %add3A_276, %select_n3A_287 : vector<16xf32>
        %add3A_289 = arith.constant 48 : i32
        %add3A_290 = arith.addi %add3A_249, %add3A_289 : i32
        %get3A_291 = arith.index_cast %add3A_290 : i32 to index
        %get3A_292 = tpu.vector_load %arg10[%get3A_291] {strides = array<i32>} : memref<24672xf32, #tpu.memory_space<vmem>>, vector<16xf32>,
        %sub3A_293 = arith.constant 48 : i32
        %sub3A_294 = arith.subi %sub3A_252, %sub3A_293 : i32
        %lt3A_295 = vector.broadcast %sub3A_294 : i32 to vector<16xi32>
        %lt3A_296 = arith.cmpi slt, %iota3A, %lt3A_295 : vector<16xi32>
        %jit3A_297 = arith.constant 0.000000e+00 : f32
        %broadcast_in_dim3A_298 = vector.broadcast %jit3A_297 : f32 to vector<16xf32>
        %select_n3A_299 = arith.select %lt3A_296, %get3A_292, %broadcast_in_dim3A_298 : vector<16xi1>, vector<16xf32>
        %add3A_300 = arith.addf %add3A_288, %select_n3A_299 : vector<16xf32>
        scf.yield %add3A_300 : vector<16xf32>
      }
      %while3A_167 = arith.constant 1 : i32
      %while3A_168 = scf.for %while3A_245 = %while3A_164 to %while3A_160 step %while3A_167 iter_args(%while3A_246 = %while3A_166) -> (vector<16xf32>)  : i32 {
        %mul3A_247 = arith.constant 64 : i32
        %mul3A_248 = arith.muli %mul3A_247, %while3A_245 : i32
        %add3A_249 = arith.addi %sub3A_153, %mul3A_248 : i32
        %mul3A_250 = arith.constant 64 : i32
        %mul3A_251 = arith.muli %mul3A_250, %while3A_245 : i32
        %sub3A_252 = arith.subi %sub3A_152, %mul3A_251 : i32
        %add3A_253 = arith.constant 0 : i32
        %add3A_254 = arith.addi %add3A_249, %add3A_253 : i32
        %get3A_255 = arith.index_cast %add3A_254 : i32 to index
        %get3A_256 = tpu.vector_load %arg10[%get3A_255] {strides = array<i32>} : memref<24672xf32, #tpu.memory_space<vmem>>, vector<16xf32>,
        %sub3A_257 = arith.constant 0 : i32
        %sub3A_258 = arith.subi %sub3A_252, %sub3A_257 : i32
        %lt3A_259 = vector.broadcast %sub3A_258 : i32 to vector<16xi32>
        %lt3A_260 = arith.cmpi slt, %iota3A, %lt3A_259 : vector<16xi32>
        %jit3A_261 = arith.constant 0.000000e+00 : f32
        %broadcast_in_dim3A_262 = vector.broadcast %jit3A_261 : f32 to vector<16xf32>
        %select_n3A_263 = arith.select %lt3A_260, %get3A_256, %broadcast_in_dim3A_262 : vector<16xi1>, vector<16xf32>
        %add3A_264 = arith.addf %while3A_246, %select_n3A_263 : vector<16xf32>
        %add3A_265 = arith.constant 16 : i32
        %add3A_266 = arith.addi %add3A_249, %add3A_265 : i32
        %get3A_267 = arith.index_cast %add3A_266 : i32 to index
        %get3A_268 = tpu.vector_load %arg10[%get3A_267] {strides = array<i32>} : memref<24672xf32, #tpu.memory_space<vmem>>, vector<16xf32>,
        %sub3A_269 = arith.constant 16 : i32
        %sub3A_270 = arith.subi %sub3A_252, %sub3A_269 : i32
        %lt3A_271 = vector.broadcast %sub3A_270 : i32 to vector<16xi32>
        %lt3A_272 = arith.cmpi slt, %iota3A, %lt3A_271 : vector<16xi32>
        %jit3A_273 = arith.constant 0.000000e+00 : f32
        %broadcast_in_dim3A_274 = vector.broadcast %jit3A_273 : f32 to vector<16xf32>
        %select_n3A_275 = arith.select %lt3A_272, %get3A_268, %broadcast_in_dim3A_274 : vector<16xi1>, vector<16xf32>
        %add3A_276 = arith.addf %add3A_264, %select_n3A_275 : vector<16xf32>
        %add3A_277 = arith.constant 32 : i32
        %add3A_278 = arith.addi %add3A_249, %add3A_277 : i32
        %get3A_279 = arith.index_cast %add3A_278 : i32 to index
        %get3A_280 = tpu.vector_load %arg10[%get3A_279] {strides = array<i32>} : memref<24672xf32, #tpu.memory_space<vmem>>, vector<16xf32>,
        %sub3A_281 = arith.constant 32 : i32
        %sub3A_282 = arith.subi %sub3A_252, %sub3A_281 : i32
        %lt3A_283 = vector.broadcast %sub3A_282 : i32 to vector<16xi32>
        %lt3A_284 = arith.cmpi slt, %iota3A, %lt3A_283 : vector<16xi32>
        %jit3A_285 = arith.constant 0.000000e+00 : f32
        %broadcast_in_dim3A_286 = vector.broadcast %jit3A_285 : f32 to vector<16xf32>
        %select_n3A_287 = arith.select %lt3A_284, %get3A_280, %broadcast_in_dim3A_286 : vector<16xi1>, vector<16xf32>
        %add3A_288 = arith.addf %add3A_276, %select_n3A_287 : vector<16xf32>
        %add3A_289 = arith.constant 48 : i32
        %add3A_290 = arith.addi %add3A_249, %add3A_289 : i32
        %get3A_291 = arith.index_cast %add3A_290 : i32 to index
        %get3A_292 = tpu.vector_load %arg10[%get3A_291] {strides = array<i32>} : memref<24672xf32, #tpu.memory_space<vmem>>, vector<16xf32>,
        %sub3A_293 = arith.constant 48 : i32
        %sub3A_294 = arith.subi %sub3A_252, %sub3A_293 : i32
        %lt3A_295 = vector.broadcast %sub3A_294 : i32 to vector<16xi32>
        %lt3A_296 = arith.cmpi slt, %iota3A, %lt3A_295 : vector<16xi32>
        %jit3A_297 = arith.constant 0.000000e+00 : f32
        %broadcast_in_dim3A_298 = vector.broadcast %jit3A_297 : f32 to vector<16xf32>
        %select_n3A_299 = arith.select %lt3A_296, %get3A_292, %broadcast_in_dim3A_298 : vector<16xi1>, vector<16xf32>
        %add3A_300 = arith.addf %add3A_288, %select_n3A_299 : vector<16xf32>
        scf.yield %add3A_300 : vector<16xf32>
      }
      %sub3A_169 = arith.subi %add3A_135, %multiple_of3A : i32
      %get3A_170 = arith.index_cast %sub3A_169 : i32 to index
      %get3A_171 = tpu.vector_load %arg13[%get3A_170] {strides = array<i32>} : memref<40xf32, #tpu.memory_space<vmem>>, vector<16xf32>,
      %slice3A_172 = vector.extract_strided_slice %get3A_171 {offsets = [0], sizes = [1], strides = [1]} : vector<16xf32> to vector<1xf32>
      %squeeze3A_173 = vector.extract %slice3A_172[0] : f32 from vector<1xf32>
      %broadcast_in_dim3A_174 = vector.broadcast %squeeze3A_173 : f32 to vector<16xf32>
      %exp3A = math.exp %broadcast_in_dim3A_174 : vector<16xf32>
      %reduce_max3A = arith.constant true
      %reduce_max3A_175 = vector.broadcast %reduce_max3A : i1 to vector<16xi1>
      %reduce_max3A_176 = tpu.scan <max>, %exp3A masked %reduce_max3A_175 : vector<16xf32>, vector<16xi1> -> vector<16xf32>
      %reduce_max3A_177 = vector.extract %reduce_max3A_176[15] : f32 from vector<16xf32>
      %reduce_sum3A = arith.constant true
      %reduce_sum3A_178 = vector.broadcast %reduce_sum3A : i1 to vector<16xi1>
      %reduce_sum3A_179 = tpu.scan <sum>, %while3A_168 masked %reduce_sum3A_178 : vector<16xf32>, vector<16xi1> -> vector<16xf32>
      %reduce_sum3A_180 = vector.extract %reduce_sum3A_179[15] : f32 from vector<16xf32>
      %add3A_181 = arith.addf %reduce_sum3A_180, %reduce_max3A_177 : f32
      %broadcast_in_dim3A_182 = vector.broadcast %add3A_181 : f32 to vector<16xf32>
      %div3A = arith.constant 1.000000e+00 : f32
      %div3A_183 = vector.broadcast %div3A : f32 to vector<16xf32>
      %div3A_184 = arith.divf %div3A_183, %broadcast_in_dim3A_182 : vector<16xf32>
      %broadcast_in_dim3A_185 = arith.constant -1.000000e+00 : f32
      %broadcast_in_dim3A_186 = vector.broadcast %broadcast_in_dim3A_185 : f32 to vector<16xf32>
      %broadcast_in_dim3A_187 = arith.constant -1 : i32
      %broadcast_in_dim3A_188 = vector.broadcast %broadcast_in_dim3A_187 : i32 to vector<16xi32>
      %while3A_189 = arith.constant 0 : i32
      %while3A_190 = arith.subi %shift_right_arithmetic3A_157, %while3A_189 : i32
      %while3A_191 = arith.addi %while3A_189, %while3A_190 : i32
      %while3A_192 = arith.constant 1 : i32
      %while3A_193 = arith.divsi %while3A_190, %while3A_192 : i32
      %while3A_194 = arith.muli %while3A_193, %while3A_192 : i32
      %while3A_195 = arith.addi %while3A_189, %while3A_194 : i32
      %while3A_196 = arith.constant 1 : i32
      %while3A_197:2 = scf.for %while3A_245 = %while3A_189 to %while3A_195 step %while3A_196 iter_args(%while3A_246 = %broadcast_in_dim3A_186, %while3A_247 = %broadcast_in_dim3A_188) -> (vector<16xf32>, vector<16xi32>)  : i32 {
        %mul3A_248 = arith.constant 64 : i32
        %mul3A_249 = arith.muli %mul3A_248, %while3A_245 : i32
        %add3A_250 = arith.addi %sub3A_153, %mul3A_249 : i32
        %mul3A_251 = arith.constant 64 : i32
        %mul3A_252 = arith.muli %mul3A_251, %while3A_245 : i32
        %sub3A_253 = arith.subi %sub3A_152, %mul3A_252 : i32
        %add3A_254 = arith.constant 0 : i32
        %add3A_255 = arith.addi %add3A_250, %add3A_254 : i32
        %get3A_256 = arith.index_cast %add3A_255 : i32 to index
        %get3A_257 = tpu.vector_load %arg10[%get3A_256] {strides = array<i32>} : memref<24672xf32, #tpu.memory_space<vmem>>, vector<16xf32>,
        %get3A_258 = arith.index_cast %add3A_255 : i32 to index
        %get3A_259 = tpu.vector_load %arg11[%get3A_258] {strides = array<i32>} : memref<24672xf32, #tpu.memory_space<vmem>>, vector<16xf32>,
        %sub3A_260 = arith.constant 0 : i32
        %sub3A_261 = arith.subi %sub3A_253, %sub3A_260 : i32
        %lt3A_262 = vector.broadcast %sub3A_261 : i32 to vector<16xi32>
        %lt3A_263 = arith.cmpi slt, %iota3A, %lt3A_262 : vector<16xi32>
        %mul3A_264 = arith.mulf %get3A_257, %div3A_184 : vector<16xf32>
        %select_n3A_265 = arith.select %lt3A_263, %mul3A_264, %get3A_257 : vector<16xi1>, vector<16xf32>
        %swap3A_266 = arith.index_cast %add3A_255 : i32 to index
        %swap3A_267 = tpu.vector_load %arg10[%swap3A_266] {strides = array<i32>} : memref<24672xf32, #tpu.memory_space<vmem>>, vector<16xf32>,
        tpu.vector_store %arg10[%swap3A_266], %select_n3A_265 {strides = array<i32>} : memref<24672xf32, #tpu.memory_space<vmem>>, vector<16xf32>,
        %add3A_268 = arith.constant 9.99999971E-10 : f32
        %add3A_269 = vector.broadcast %add3A_268 : f32 to vector<16xf32>
        %add3A_270 = arith.addf %mul3A_264, %add3A_269 : vector<16xf32>
        %mul3A_271 = arith.mulf %add3A_270, %get3A_259 : vector<16xf32>
        %jit3A_272 = arith.constant 0.000000e+00 : f32
        %broadcast_in_dim3A_273 = vector.broadcast %jit3A_272 : f32 to vector<16xf32>
        %select_n3A_274 = arith.select %lt3A_263, %mul3A_271, %broadcast_in_dim3A_273 : vector<16xi1>, vector<16xf32>
        %mul3A_275 = arith.constant 64 : i32
        %mul3A_276 = arith.muli %mul3A_275, %while3A_245 : i32
        %add3A_277 = arith.addi %mul3A_142, %mul3A_276 : i32
        %add3A_278 = arith.constant 0 : i32
        %add3A_279 = arith.addi %add3A_277, %add3A_278 : i32
        %add3A_280 = vector.broadcast %add3A_279 : i32 to vector<16xi32>
        %add3A_281 = arith.addi %add3A_280, %iota3A : vector<16xi32>
        %ge3A = arith.cmpf oge, %select_n3A_274, %while3A_246 : vector<16xf32>
        %select_n3A_282 = arith.select %ge3A, %select_n3A_274, %while3A_246 : vector<16xi1>, vector<16xf32>
        %select_n3A_283 = arith.select %ge3A, %add3A_281, %while3A_247 : vector<16xi1>, vector<16xi32>
        %add3A_284 = arith.constant 16 : i32
        %add3A_285 = arith.addi %add3A_250, %add3A_284 : i32
        %get3A_286 = arith.index_cast %add3A_285 : i32 to index
        %get3A_287 = tpu.vector_load %arg10[%get3A_286] {strides = array<i32>} : memref<24672xf32, #tpu.memory_space<vmem>>, vector<16xf32>,
        %get3A_288 = arith.index_cast %add3A_285 : i32 to index
        %get3A_289 = tpu.vector_load %arg11[%get3A_288] {strides = array<i32>} : memref<24672xf32, #tpu.memory_space<vmem>>, vector<16xf32>,
        %sub3A_290 = arith.constant 16 : i32
        %sub3A_291 = arith.subi %sub3A_253, %sub3A_290 : i32
        %lt3A_292 = vector.broadcast %sub3A_291 : i32 to vector<16xi32>
        %lt3A_293 = arith.cmpi slt, %iota3A, %lt3A_292 : vector<16xi32>
        %mul3A_294 = arith.mulf %get3A_287, %div3A_184 : vector<16xf32>
        %select_n3A_295 = arith.select %lt3A_293, %mul3A_294, %get3A_287 : vector<16xi1>, vector<16xf32>
        %swap3A_296 = arith.index_cast %add3A_285 : i32 to index
        %swap3A_297 = tpu.vector_load %arg10[%swap3A_296] {strides = array<i32>} : memref<24672xf32, #tpu.memory_space<vmem>>, vector<16xf32>,
        tpu.vector_store %arg10[%swap3A_296], %select_n3A_295 {strides = array<i32>} : memref<24672xf32, #tpu.memory_space<vmem>>, vector<16xf32>,
        %add3A_298 = arith.constant 9.99999971E-10 : f32
        %add3A_299 = vector.broadcast %add3A_298 : f32 to vector<16xf32>
        %add3A_300 = arith.addf %mul3A_294, %add3A_299 : vector<16xf32>
        %mul3A_301 = arith.mulf %add3A_300, %get3A_289 : vector<16xf32>
        %jit3A_302 = arith.constant 0.000000e+00 : f32
        %broadcast_in_dim3A_303 = vector.broadcast %jit3A_302 : f32 to vector<16xf32>
        %select_n3A_304 = arith.select %lt3A_293, %mul3A_301, %broadcast_in_dim3A_303 : vector<16xi1>, vector<16xf32>
        %mul3A_305 = arith.constant 64 : i32
        %mul3A_306 = arith.muli %mul3A_305, %while3A_245 : i32
        %add3A_307 = arith.addi %mul3A_142, %mul3A_306 : i32
        %add3A_308 = arith.constant 16 : i32
        %add3A_309 = arith.addi %add3A_307, %add3A_308 : i32
        %add3A_310 = vector.broadcast %add3A_309 : i32 to vector<16xi32>
        %add3A_311 = arith.addi %add3A_310, %iota3A : vector<16xi32>
        %ge3A_312 = arith.cmpf oge, %select_n3A_304, %select_n3A_282 : vector<16xf32>
        %select_n3A_313 = arith.select %ge3A_312, %select_n3A_304, %select_n3A_282 : vector<16xi1>, vector<16xf32>
        %select_n3A_314 = arith.select %ge3A_312, %add3A_311, %select_n3A_283 : vector<16xi1>, vector<16xi32>
        %add3A_315 = arith.constant 32 : i32
        %add3A_316 = arith.addi %add3A_250, %add3A_315 : i32
        %get3A_317 = arith.index_cast %add3A_316 : i32 to index
        %get3A_318 = tpu.vector_load %arg10[%get3A_317] {strides = array<i32>} : memref<24672xf32, #tpu.memory_space<vmem>>, vector<16xf32>,
        %get3A_319 = arith.index_cast %add3A_316 : i32 to index
        %get3A_320 = tpu.vector_load %arg11[%get3A_319] {strides = array<i32>} : memref<24672xf32, #tpu.memory_space<vmem>>, vector<16xf32>,
        %sub3A_321 = arith.constant 32 : i32
        %sub3A_322 = arith.subi %sub3A_253, %sub3A_321 : i32
        %lt3A_323 = vector.broadcast %sub3A_322 : i32 to vector<16xi32>
        %lt3A_324 = arith.cmpi slt, %iota3A, %lt3A_323 : vector<16xi32>
        %mul3A_325 = arith.mulf %get3A_318, %div3A_184 : vector<16xf32>
        %select_n3A_326 = arith.select %lt3A_324, %mul3A_325, %get3A_318 : vector<16xi1>, vector<16xf32>
        %swap3A_327 = arith.index_cast %add3A_316 : i32 to index
        %swap3A_328 = tpu.vector_load %arg10[%swap3A_327] {strides = array<i32>} : memref<24672xf32, #tpu.memory_space<vmem>>, vector<16xf32>,
        tpu.vector_store %arg10[%swap3A_327], %select_n3A_326 {strides = array<i32>} : memref<24672xf32, #tpu.memory_space<vmem>>, vector<16xf32>,
        %add3A_329 = arith.constant 9.99999971E-10 : f32
        %add3A_330 = vector.broadcast %add3A_329 : f32 to vector<16xf32>
        %add3A_331 = arith.addf %mul3A_325, %add3A_330 : vector<16xf32>
        %mul3A_332 = arith.mulf %add3A_331, %get3A_320 : vector<16xf32>
        %jit3A_333 = arith.constant 0.000000e+00 : f32
        %broadcast_in_dim3A_334 = vector.broadcast %jit3A_333 : f32 to vector<16xf32>
        %select_n3A_335 = arith.select %lt3A_324, %mul3A_332, %broadcast_in_dim3A_334 : vector<16xi1>, vector<16xf32>
        %mul3A_336 = arith.constant 64 : i32
        %mul3A_337 = arith.muli %mul3A_336, %while3A_245 : i32
        %add3A_338 = arith.addi %mul3A_142, %mul3A_337 : i32
        %add3A_339 = arith.constant 32 : i32
        %add3A_340 = arith.addi %add3A_338, %add3A_339 : i32
        %add3A_341 = vector.broadcast %add3A_340 : i32 to vector<16xi32>
        %add3A_342 = arith.addi %add3A_341, %iota3A : vector<16xi32>
        %ge3A_343 = arith.cmpf oge, %select_n3A_335, %select_n3A_313 : vector<16xf32>
        %select_n3A_344 = arith.select %ge3A_343, %select_n3A_335, %select_n3A_313 : vector<16xi1>, vector<16xf32>
        %select_n3A_345 = arith.select %ge3A_343, %add3A_342, %select_n3A_314 : vector<16xi1>, vector<16xi32>
        %add3A_346 = arith.constant 48 : i32
        %add3A_347 = arith.addi %add3A_250, %add3A_346 : i32
        %get3A_348 = arith.index_cast %add3A_347 : i32 to index
        %get3A_349 = tpu.vector_load %arg10[%get3A_348] {strides = array<i32>} : memref<24672xf32, #tpu.memory_space<vmem>>, vector<16xf32>,
        %get3A_350 = arith.index_cast %add3A_347 : i32 to index
        %get3A_351 = tpu.vector_load %arg11[%get3A_350] {strides = array<i32>} : memref<24672xf32, #tpu.memory_space<vmem>>, vector<16xf32>,
        %sub3A_352 = arith.constant 48 : i32
        %sub3A_353 = arith.subi %sub3A_253, %sub3A_352 : i32
        %lt3A_354 = vector.broadcast %sub3A_353 : i32 to vector<16xi32>
        %lt3A_355 = arith.cmpi slt, %iota3A, %lt3A_354 : vector<16xi32>
        %mul3A_356 = arith.mulf %get3A_349, %div3A_184 : vector<16xf32>
        %select_n3A_357 = arith.select %lt3A_355, %mul3A_356, %get3A_349 : vector<16xi1>, vector<16xf32>
        %swap3A_358 = arith.index_cast %add3A_347 : i32 to index
        %swap3A_359 = tpu.vector_load %arg10[%swap3A_358] {strides = array<i32>} : memref<24672xf32, #tpu.memory_space<vmem>>, vector<16xf32>,
        tpu.vector_store %arg10[%swap3A_358], %select_n3A_357 {strides = array<i32>} : memref<24672xf32, #tpu.memory_space<vmem>>, vector<16xf32>,
        %add3A_360 = arith.constant 9.99999971E-10 : f32
        %add3A_361 = vector.broadcast %add3A_360 : f32 to vector<16xf32>
        %add3A_362 = arith.addf %mul3A_356, %add3A_361 : vector<16xf32>
        %mul3A_363 = arith.mulf %add3A_362, %get3A_351 : vector<16xf32>
        %jit3A_364 = arith.constant 0.000000e+00 : f32
        %broadcast_in_dim3A_365 = vector.broadcast %jit3A_364 : f32 to vector<16xf32>
        %select_n3A_366 = arith.select %lt3A_355, %mul3A_363, %broadcast_in_dim3A_365 : vector<16xi1>, vector<16xf32>
        %mul3A_367 = arith.constant 64 : i32
        %mul3A_368 = arith.muli %mul3A_367, %while3A_245 : i32
        %add3A_369 = arith.addi %mul3A_142, %mul3A_368 : i32
        %add3A_370 = arith.constant 48 : i32
        %add3A_371 = arith.addi %add3A_369, %add3A_370 : i32
        %add3A_372 = vector.broadcast %add3A_371 : i32 to vector<16xi32>
        %add3A_373 = arith.addi %add3A_372, %iota3A : vector<16xi32>
        %ge3A_374 = arith.cmpf oge, %select_n3A_366, %select_n3A_344 : vector<16xf32>
        %select_n3A_375 = arith.select %ge3A_374, %select_n3A_366, %select_n3A_344 : vector<16xi1>, vector<16xf32>
        %select_n3A_376 = arith.select %ge3A_374, %add3A_373, %select_n3A_345 : vector<16xi1>, vector<16xi32>
        scf.yield %select_n3A_375, %select_n3A_376 : vector<16xf32>, vector<16xi32>
      }
      %while3A_198 = arith.constant 1 : i32
      %while3A_199:2 = scf.for %while3A_245 = %while3A_195 to %while3A_191 step %while3A_198 iter_args(%while3A_246 = %while3A_197#0, %while3A_247 = %while3A_197#1) -> (vector<16xf32>, vector<16xi32>)  : i32 {
        %mul3A_248 = arith.constant 64 : i32
        %mul3A_249 = arith.muli %mul3A_248, %while3A_245 : i32
        %add3A_250 = arith.addi %sub3A_153, %mul3A_249 : i32
        %mul3A_251 = arith.constant 64 : i32
        %mul3A_252 = arith.muli %mul3A_251, %while3A_245 : i32
        %sub3A_253 = arith.subi %sub3A_152, %mul3A_252 : i32
        %add3A_254 = arith.constant 0 : i32
        %add3A_255 = arith.addi %add3A_250, %add3A_254 : i32
        %get3A_256 = arith.index_cast %add3A_255 : i32 to index
        %get3A_257 = tpu.vector_load %arg10[%get3A_256] {strides = array<i32>} : memref<24672xf32, #tpu.memory_space<vmem>>, vector<16xf32>,
        %get3A_258 = arith.index_cast %add3A_255 : i32 to index
        %get3A_259 = tpu.vector_load %arg11[%get3A_258] {strides = array<i32>} : memref<24672xf32, #tpu.memory_space<vmem>>, vector<16xf32>,
        %sub3A_260 = arith.constant 0 : i32
        %sub3A_261 = arith.subi %sub3A_253, %sub3A_260 : i32
        %lt3A_262 = vector.broadcast %sub3A_261 : i32 to vector<16xi32>
        %lt3A_263 = arith.cmpi slt, %iota3A, %lt3A_262 : vector<16xi32>
        %mul3A_264 = arith.mulf %get3A_257, %div3A_184 : vector<16xf32>
        %select_n3A_265 = arith.select %lt3A_263, %mul3A_264, %get3A_257 : vector<16xi1>, vector<16xf32>
        %swap3A_266 = arith.index_cast %add3A_255 : i32 to index
        %swap3A_267 = tpu.vector_load %arg10[%swap3A_266] {strides = array<i32>} : memref<24672xf32, #tpu.memory_space<vmem>>, vector<16xf32>,
        tpu.vector_store %arg10[%swap3A_266], %select_n3A_265 {strides = array<i32>} : memref<24672xf32, #tpu.memory_space<vmem>>, vector<16xf32>,
        %add3A_268 = arith.constant 9.99999971E-10 : f32
        %add3A_269 = vector.broadcast %add3A_268 : f32 to vector<16xf32>
        %add3A_270 = arith.addf %mul3A_264, %add3A_269 : vector<16xf32>
        %mul3A_271 = arith.mulf %add3A_270, %get3A_259 : vector<16xf32>
        %jit3A_272 = arith.constant 0.000000e+00 : f32
        %broadcast_in_dim3A_273 = vector.broadcast %jit3A_272 : f32 to vector<16xf32>
        %select_n3A_274 = arith.select %lt3A_263, %mul3A_271, %broadcast_in_dim3A_273 : vector<16xi1>, vector<16xf32>
        %mul3A_275 = arith.constant 64 : i32
        %mul3A_276 = arith.muli %mul3A_275, %while3A_245 : i32
        %add3A_277 = arith.addi %mul3A_142, %mul3A_276 : i32
        %add3A_278 = arith.constant 0 : i32
        %add3A_279 = arith.addi %add3A_277, %add3A_278 : i32
        %add3A_280 = vector.broadcast %add3A_279 : i32 to vector<16xi32>
        %add3A_281 = arith.addi %add3A_280, %iota3A : vector<16xi32>
        %ge3A = arith.cmpf oge, %select_n3A_274, %while3A_246 : vector<16xf32>
        %select_n3A_282 = arith.select %ge3A, %select_n3A_274, %while3A_246 : vector<16xi1>, vector<16xf32>
        %select_n3A_283 = arith.select %ge3A, %add3A_281, %while3A_247 : vector<16xi1>, vector<16xi32>
        %add3A_284 = arith.constant 16 : i32
        %add3A_285 = arith.addi %add3A_250, %add3A_284 : i32
        %get3A_286 = arith.index_cast %add3A_285 : i32 to index
        %get3A_287 = tpu.vector_load %arg10[%get3A_286] {strides = array<i32>} : memref<24672xf32, #tpu.memory_space<vmem>>, vector<16xf32>,
        %get3A_288 = arith.index_cast %add3A_285 : i32 to index
        %get3A_289 = tpu.vector_load %arg11[%get3A_288] {strides = array<i32>} : memref<24672xf32, #tpu.memory_space<vmem>>, vector<16xf32>,
        %sub3A_290 = arith.constant 16 : i32
        %sub3A_291 = arith.subi %sub3A_253, %sub3A_290 : i32
        %lt3A_292 = vector.broadcast %sub3A_291 : i32 to vector<16xi32>
        %lt3A_293 = arith.cmpi slt, %iota3A, %lt3A_292 : vector<16xi32>
        %mul3A_294 = arith.mulf %get3A_287, %div3A_184 : vector<16xf32>
        %select_n3A_295 = arith.select %lt3A_293, %mul3A_294, %get3A_287 : vector<16xi1>, vector<16xf32>
        %swap3A_296 = arith.index_cast %add3A_285 : i32 to index
        %swap3A_297 = tpu.vector_load %arg10[%swap3A_296] {strides = array<i32>} : memref<24672xf32, #tpu.memory_space<vmem>>, vector<16xf32>,
        tpu.vector_store %arg10[%swap3A_296], %select_n3A_295 {strides = array<i32>} : memref<24672xf32, #tpu.memory_space<vmem>>, vector<16xf32>,
        %add3A_298 = arith.constant 9.99999971E-10 : f32
        %add3A_299 = vector.broadcast %add3A_298 : f32 to vector<16xf32>
        %add3A_300 = arith.addf %mul3A_294, %add3A_299 : vector<16xf32>
        %mul3A_301 = arith.mulf %add3A_300, %get3A_289 : vector<16xf32>
        %jit3A_302 = arith.constant 0.000000e+00 : f32
        %broadcast_in_dim3A_303 = vector.broadcast %jit3A_302 : f32 to vector<16xf32>
        %select_n3A_304 = arith.select %lt3A_293, %mul3A_301, %broadcast_in_dim3A_303 : vector<16xi1>, vector<16xf32>
        %mul3A_305 = arith.constant 64 : i32
        %mul3A_306 = arith.muli %mul3A_305, %while3A_245 : i32
        %add3A_307 = arith.addi %mul3A_142, %mul3A_306 : i32
        %add3A_308 = arith.constant 16 : i32
        %add3A_309 = arith.addi %add3A_307, %add3A_308 : i32
        %add3A_310 = vector.broadcast %add3A_309 : i32 to vector<16xi32>
        %add3A_311 = arith.addi %add3A_310, %iota3A : vector<16xi32>
        %ge3A_312 = arith.cmpf oge, %select_n3A_304, %select_n3A_282 : vector<16xf32>
        %select_n3A_313 = arith.select %ge3A_312, %select_n3A_304, %select_n3A_282 : vector<16xi1>, vector<16xf32>
        %select_n3A_314 = arith.select %ge3A_312, %add3A_311, %select_n3A_283 : vector<16xi1>, vector<16xi32>
        %add3A_315 = arith.constant 32 : i32
        %add3A_316 = arith.addi %add3A_250, %add3A_315 : i32
        %get3A_317 = arith.index_cast %add3A_316 : i32 to index
        %get3A_318 = tpu.vector_load %arg10[%get3A_317] {strides = array<i32>} : memref<24672xf32, #tpu.memory_space<vmem>>, vector<16xf32>,
        %get3A_319 = arith.index_cast %add3A_316 : i32 to index
        %get3A_320 = tpu.vector_load %arg11[%get3A_319] {strides = array<i32>} : memref<24672xf32, #tpu.memory_space<vmem>>, vector<16xf32>,
        %sub3A_321 = arith.constant 32 : i32
        %sub3A_322 = arith.subi %sub3A_253, %sub3A_321 : i32
        %lt3A_323 = vector.broadcast %sub3A_322 : i32 to vector<16xi32>
        %lt3A_324 = arith.cmpi slt, %iota3A, %lt3A_323 : vector<16xi32>
        %mul3A_325 = arith.mulf %get3A_318, %div3A_184 : vector<16xf32>
        %select_n3A_326 = arith.select %lt3A_324, %mul3A_325, %get3A_318 : vector<16xi1>, vector<16xf32>
        %swap3A_327 = arith.index_cast %add3A_316 : i32 to index
        %swap3A_328 = tpu.vector_load %arg10[%swap3A_327] {strides = array<i32>} : memref<24672xf32, #tpu.memory_space<vmem>>, vector<16xf32>,
        tpu.vector_store %arg10[%swap3A_327], %select_n3A_326 {strides = array<i32>} : memref<24672xf32, #tpu.memory_space<vmem>>, vector<16xf32>,
        %add3A_329 = arith.constant 9.99999971E-10 : f32
        %add3A_330 = vector.broadcast %add3A_329 : f32 to vector<16xf32>
        %add3A_331 = arith.addf %mul3A_325, %add3A_330 : vector<16xf32>
        %mul3A_332 = arith.mulf %add3A_331, %get3A_320 : vector<16xf32>
        %jit3A_333 = arith.constant 0.000000e+00 : f32
        %broadcast_in_dim3A_334 = vector.broadcast %jit3A_333 : f32 to vector<16xf32>
        %select_n3A_335 = arith.select %lt3A_324, %mul3A_332, %broadcast_in_dim3A_334 : vector<16xi1>, vector<16xf32>
        %mul3A_336 = arith.constant 64 : i32
        %mul3A_337 = arith.muli %mul3A_336, %while3A_245 : i32
        %add3A_338 = arith.addi %mul3A_142, %mul3A_337 : i32
        %add3A_339 = arith.constant 32 : i32
        %add3A_340 = arith.addi %add3A_338, %add3A_339 : i32
        %add3A_341 = vector.broadcast %add3A_340 : i32 to vector<16xi32>
        %add3A_342 = arith.addi %add3A_341, %iota3A : vector<16xi32>
        %ge3A_343 = arith.cmpf oge, %select_n3A_335, %select_n3A_313 : vector<16xf32>
        %select_n3A_344 = arith.select %ge3A_343, %select_n3A_335, %select_n3A_313 : vector<16xi1>, vector<16xf32>
        %select_n3A_345 = arith.select %ge3A_343, %add3A_342, %select_n3A_314 : vector<16xi1>, vector<16xi32>
        %add3A_346 = arith.constant 48 : i32
        %add3A_347 = arith.addi %add3A_250, %add3A_346 : i32
        %get3A_348 = arith.index_cast %add3A_347 : i32 to index
        %get3A_349 = tpu.vector_load %arg10[%get3A_348] {strides = array<i32>} : memref<24672xf32, #tpu.memory_space<vmem>>, vector<16xf32>,
        %get3A_350 = arith.index_cast %add3A_347 : i32 to index
        %get3A_351 = tpu.vector_load %arg11[%get3A_350] {strides = array<i32>} : memref<24672xf32, #tpu.memory_space<vmem>>, vector<16xf32>,
        %sub3A_352 = arith.constant 48 : i32
        %sub3A_353 = arith.subi %sub3A_253, %sub3A_352 : i32
        %lt3A_354 = vector.broadcast %sub3A_353 : i32 to vector<16xi32>
        %lt3A_355 = arith.cmpi slt, %iota3A, %lt3A_354 : vector<16xi32>
        %mul3A_356 = arith.mulf %get3A_349, %div3A_184 : vector<16xf32>
        %select_n3A_357 = arith.select %lt3A_355, %mul3A_356, %get3A_349 : vector<16xi1>, vector<16xf32>
        %swap3A_358 = arith.index_cast %add3A_347 : i32 to index
        %swap3A_359 = tpu.vector_load %arg10[%swap3A_358] {strides = array<i32>} : memref<24672xf32, #tpu.memory_space<vmem>>, vector<16xf32>,
        tpu.vector_store %arg10[%swap3A_358], %select_n3A_357 {strides = array<i32>} : memref<24672xf32, #tpu.memory_space<vmem>>, vector<16xf32>,
        %add3A_360 = arith.constant 9.99999971E-10 : f32
        %add3A_361 = vector.broadcast %add3A_360 : f32 to vector<16xf32>
        %add3A_362 = arith.addf %mul3A_356, %add3A_361 : vector<16xf32>
        %mul3A_363 = arith.mulf %add3A_362, %get3A_351 : vector<16xf32>
        %jit3A_364 = arith.constant 0.000000e+00 : f32
        %broadcast_in_dim3A_365 = vector.broadcast %jit3A_364 : f32 to vector<16xf32>
        %select_n3A_366 = arith.select %lt3A_355, %mul3A_363, %broadcast_in_dim3A_365 : vector<16xi1>, vector<16xf32>
        %mul3A_367 = arith.constant 64 : i32
        %mul3A_368 = arith.muli %mul3A_367, %while3A_245 : i32
        %add3A_369 = arith.addi %mul3A_142, %mul3A_368 : i32
        %add3A_370 = arith.constant 48 : i32
        %add3A_371 = arith.addi %add3A_369, %add3A_370 : i32
        %add3A_372 = vector.broadcast %add3A_371 : i32 to vector<16xi32>
        %add3A_373 = arith.addi %add3A_372, %iota3A : vector<16xi32>
        %ge3A_374 = arith.cmpf oge, %select_n3A_366, %select_n3A_344 : vector<16xf32>
        %select_n3A_375 = arith.select %ge3A_374, %select_n3A_366, %select_n3A_344 : vector<16xi1>, vector<16xf32>
        %select_n3A_376 = arith.select %ge3A_374, %add3A_373, %select_n3A_345 : vector<16xi1>, vector<16xi32>
        scf.yield %select_n3A_375, %select_n3A_376 : vector<16xf32>, vector<16xi32>
      }
      %reduce_max3A_200 = arith.constant true
      %reduce_max3A_201 = vector.broadcast %reduce_max3A_200 : i1 to vector<16xi1>
      %reduce_max3A_202 = tpu.scan <max>, %while3A_199#0 masked %reduce_max3A_201 : vector<16xf32>, vector<16xi1> -> vector<16xf32>
      %reduce_max3A_203 = vector.extract %reduce_max3A_202[15] : f32 from vector<16xf32>
      %eq3A_204 = vector.broadcast %reduce_max3A_203 : f32 to vector<16xf32>
      %eq3A_205 = arith.cmpf oeq, %while3A_199#0, %eq3A_204 : vector<16xf32>
      %jit3A_206 = arith.constant -1 : i32
      %broadcast_in_dim3A_207 = vector.broadcast %jit3A_206 : i32 to vector<16xi32>
      %select_n3A_208 = arith.select %eq3A_205, %while3A_199#1, %broadcast_in_dim3A_207 : vector<16xi1>, vector<16xi32>
      %reduce_max3A_209 = arith.constant true
      %reduce_max3A_210 = vector.broadcast %reduce_max3A_209 : i1 to vector<16xi1>
      %reduce_max3A_211 = arith.constant -2147483648 : i32
      %reduce_max3A_212 = vector.broadcast %reduce_max3A_211 : i32 to vector<16xi32>
      %reduce_max3A_213 = arith.xori %select_n3A_208, %reduce_max3A_212 : vector<16xi32>
      %reduce_max3A_214 = tpu.scan <max>, %reduce_max3A_213 masked %reduce_max3A_210 : vector<16xi32>, vector<16xi1> -> vector<16xi32>
      %reduce_max3A_215 = arith.xori %reduce_max3A_214, %reduce_max3A_212 : vector<16xi32>
      %reduce_max3A_216 = vector.extract %reduce_max3A_215[15] : i32 from vector<16xi32>
      %convert_element_type3A_217 = arith.sitofp %reduce_max3A_216 : i32 to f32
      %mul3A_218 = arith.constant 2.000000e-01 : f32
      %mul3A_219 = arith.mulf %convert_element_type3A_217, %mul3A_218 : f32
      %convert_element_type3A_220 = arith.fptosi %mul3A_219 : f32 to i32
      %mul3A_221 = arith.constant 5 : i32
      %mul3A_222 = arith.muli %mul3A_221, %convert_element_type3A_220 : i32
      %lt3A = arith.cmpi slt, %reduce_max3A_216, %mul3A_222 : i32
      %jit3A_223 = arith.constant 1 : i32
      %jit3A_224 = arith.constant 0 : i32
      %select_n3A_225 = arith.select %lt3A, %jit3A_223, %jit3A_224 : i32
      %sub3A_226 = arith.subi %convert_element_type3A_220, %select_n3A_225 : i32
      %mul3A_227 = arith.constant 5 : i32
      %mul3A_228 = arith.muli %mul3A_227, %sub3A_226 : i32
      %sub3A_229 = arith.subi %reduce_max3A_216, %mul3A_228 : i32
      %gt3A_230 = arith.cmpi sgt, %mul3A_151, %mul3A_142 : i32
      %sub3A_231 = arith.constant 1 : i32
      %sub3A_232 = arith.subi %while3A_129, %sub3A_231 : i32
      %eq3A_233 = vector.broadcast %sub3A_232 : i32 to vector<16xi32>
      %eq3A_234 = arith.cmpi eq, %iota3A, %eq3A_233 : vector<16xi32>
      %div3A_235 = arith.divf %exp3A, %broadcast_in_dim3A_182 : vector<16xf32>
      %select_n3A_236 = arith.select %eq3A_234, %div3A_235, %while3A_130 : vector<16xi1>, vector<16xf32>
      %jit3A_237 = arith.constant -2147483648 : i32
      %select_n3A_238 = arith.select %gt3A_230, %sub3A_226, %jit3A_237 : i32
      %broadcast_in_dim3A_239 = vector.broadcast %select_n3A_238 : i32 to vector<16xi32>
      %select_n3A_240 = arith.select %eq3A_234, %broadcast_in_dim3A_239, %while3A_131 : vector<16xi1>, vector<16xi32>
      %jit3A_241 = arith.constant 0 : i32
      %select_n3A_242 = arith.select %gt3A_230, %sub3A_229, %jit3A_241 : i32
      %broadcast_in_dim3A_243 = vector.broadcast %select_n3A_242 : i32 to vector<16xi32>
      %select_n3A_244 = arith.select %eq3A_234, %broadcast_in_dim3A_243, %while3A_132 : vector<16xi1>, vector<16xi32>
      scf.yield %select_n3A_236, %select_n3A_240, %select_n3A_244 : vector<16xf32>, vector<16xi32>, vector<16xi32>
    }
    %while3A_59 = arith.constant 1 : i32
    %while3A_60:3 = scf.for %while3A_129 = %while3A_56 to %while3A_52 step %while3A_59 iter_args(%while3A_130 = %while3A_58#0, %while3A_131 = %while3A_58#1, %while3A_132 = %while3A_58#2) -> (vector<16xf32>, vector<16xi32>, vector<16xi32>)  : i32 {
      %sub3A_133 = arith.constant 1 : i32
      %sub3A_134 = arith.subi %mul3A_2, %sub3A_133 : i32
      %add3A_135 = arith.addi %sub3A_134, %while3A_129 : i32
      %sub3A_136 = arith.subi %add3A_135, %multiple_of3A : i32
      %get3A_137 = arith.index_cast %sub3A_136 : i32 to index
      %get3A_138 = tpu.vector_load %arg12[%get3A_137] {strides = array<i32>} : memref<48xi32, #tpu.memory_space<vmem>>, vector<16xi32>,
      %slice3A_139 = vector.extract_strided_slice %get3A_138 {offsets = [0], sizes = [1], strides = [1]} : vector<16xi32> to vector<1xi32>
      %squeeze3A_140 = vector.extract %slice3A_139[0] : i32 from vector<1xi32>
      %mul3A_141 = arith.constant 5 : i32
      %mul3A_142 = arith.muli %mul3A_141, %squeeze3A_140 : i32
      %add3A_143 = arith.constant 1 : i32
      %add3A_144 = arith.addi %add3A_135, %add3A_143 : i32
      %sub3A_145 = arith.subi %add3A_144, %multiple_of3A : i32
      %get3A_146 = arith.index_cast %sub3A_145 : i32 to index
      %get3A_147 = tpu.vector_load %arg12[%get3A_146] {strides = array<i32>} : memref<48xi32, #tpu.memory_space<vmem>>, vector<16xi32>,
      %slice3A_148 = vector.extract_strided_slice %get3A_147 {offsets = [0], sizes = [1], strides = [1]} : vector<16xi32> to vector<1xi32>
      %squeeze3A_149 = vector.extract %slice3A_148[0] : i32 from vector<1xi32>
      %mul3A_150 = arith.constant 5 : i32
      %mul3A_151 = arith.muli %mul3A_150, %squeeze3A_149 : i32
      %sub3A_152 = arith.subi %mul3A_151, %mul3A_142 : i32
      %sub3A_153 = arith.subi %mul3A_142, %multiple_of3A_16 : i32
      %add3A_154 = arith.constant 63 : i32
      %add3A_155 = arith.addi %sub3A_152, %add3A_154 : i32
      %shift_right_arithmetic3A_156 = arith.constant 6 : i32
      %shift_right_arithmetic3A_157 = arith.shrsi %add3A_155, %shift_right_arithmetic3A_156 : i32
      %while3A_158 = arith.constant 0 : i32
      %while3A_159 = arith.subi %shift_right_arithmetic3A_157, %while3A_158 : i32
      %while3A_160 = arith.addi %while3A_158, %while3A_159 : i32
      %while3A_161 = arith.constant 1 : i32
      %while3A_162 = arith.divsi %while3A_159, %while3A_161 : i32
      %while3A_163 = arith.muli %while3A_162, %while3A_161 : i32
      %while3A_164 = arith.addi %while3A_158, %while3A_163 : i32
      %while3A_165 = arith.constant 1 : i32
      %while3A_166 = scf.for %while3A_245 = %while3A_158 to %while3A_164 step %while3A_165 iter_args(%while3A_246 = %broadcast_in_dim3A_39) -> (vector<16xf32>)  : i32 {
        %mul3A_247 = arith.constant 64 : i32
        %mul3A_248 = arith.muli %mul3A_247, %while3A_245 : i32
        %add3A_249 = arith.addi %sub3A_153, %mul3A_248 : i32
        %mul3A_250 = arith.constant 64 : i32
        %mul3A_251 = arith.muli %mul3A_250, %while3A_245 : i32
        %sub3A_252 = arith.subi %sub3A_152, %mul3A_251 : i32
        %add3A_253 = arith.constant 0 : i32
        %add3A_254 = arith.addi %add3A_249, %add3A_253 : i32
        %get3A_255 = arith.index_cast %add3A_254 : i32 to index
        %get3A_256 = tpu.vector_load %arg10[%get3A_255] {strides = array<i32>} : memref<24672xf32, #tpu.memory_space<vmem>>, vector<16xf32>,
        %sub3A_257 = arith.constant 0 : i32
        %sub3A_258 = arith.subi %sub3A_252, %sub3A_257 : i32
        %lt3A_259 = vector.broadcast %sub3A_258 : i32 to vector<16xi32>
        %lt3A_260 = arith.cmpi slt, %iota3A, %lt3A_259 : vector<16xi32>
        %jit3A_261 = arith.constant 0.000000e+00 : f32
        %broadcast_in_dim3A_262 = vector.broadcast %jit3A_261 : f32 to vector<16xf32>
        %select_n3A_263 = arith.select %lt3A_260, %get3A_256, %broadcast_in_dim3A_262 : vector<16xi1>, vector<16xf32>
        %add3A_264 = arith.addf %while3A_246, %select_n3A_263 : vector<16xf32>
        %add3A_265 = arith.constant 16 : i32
        %add3A_266 = arith.addi %add3A_249, %add3A_265 : i32
        %get3A_267 = arith.index_cast %add3A_266 : i32 to index
        %get3A_268 = tpu.vector_load %arg10[%get3A_267] {strides = array<i32>} : memref<24672xf32, #tpu.memory_space<vmem>>, vector<16xf32>,
        %sub3A_269 = arith.constant 16 : i32
        %sub3A_270 = arith.subi %sub3A_252, %sub3A_269 : i32
        %lt3A_271 = vector.broadcast %sub3A_270 : i32 to vector<16xi32>
        %lt3A_272 = arith.cmpi slt, %iota3A, %lt3A_271 : vector<16xi32>
        %jit3A_273 = arith.constant 0.000000e+00 : f32
        %broadcast_in_dim3A_274 = vector.broadcast %jit3A_273 : f32 to vector<16xf32>
        %select_n3A_275 = arith.select %lt3A_272, %get3A_268, %broadcast_in_dim3A_274 : vector<16xi1>, vector<16xf32>
        %add3A_276 = arith.addf %add3A_264, %select_n3A_275 : vector<16xf32>
        %add3A_277 = arith.constant 32 : i32
        %add3A_278 = arith.addi %add3A_249, %add3A_277 : i32
        %get3A_279 = arith.index_cast %add3A_278 : i32 to index
        %get3A_280 = tpu.vector_load %arg10[%get3A_279] {strides = array<i32>} : memref<24672xf32, #tpu.memory_space<vmem>>, vector<16xf32>,
        %sub3A_281 = arith.constant 32 : i32
        %sub3A_282 = arith.subi %sub3A_252, %sub3A_281 : i32
        %lt3A_283 = vector.broadcast %sub3A_282 : i32 to vector<16xi32>
        %lt3A_284 = arith.cmpi slt, %iota3A, %lt3A_283 : vector<16xi32>
        %jit3A_285 = arith.constant 0.000000e+00 : f32
        %broadcast_in_dim3A_286 = vector.broadcast %jit3A_285 : f32 to vector<16xf32>
        %select_n3A_287 = arith.select %lt3A_284, %get3A_280, %broadcast_in_dim3A_286 : vector<16xi1>, vector<16xf32>
        %add3A_288 = arith.addf %add3A_276, %select_n3A_287 : vector<16xf32>
        %add3A_289 = arith.constant 48 : i32
        %add3A_290 = arith.addi %add3A_249, %add3A_289 : i32
        %get3A_291 = arith.index_cast %add3A_290 : i32 to index
        %get3A_292 = tpu.vector_load %arg10[%get3A_291] {strides = array<i32>} : memref<24672xf32, #tpu.memory_space<vmem>>, vector<16xf32>,
        %sub3A_293 = arith.constant 48 : i32
        %sub3A_294 = arith.subi %sub3A_252, %sub3A_293 : i32
        %lt3A_295 = vector.broadcast %sub3A_294 : i32 to vector<16xi32>
        %lt3A_296 = arith.cmpi slt, %iota3A, %lt3A_295 : vector<16xi32>
        %jit3A_297 = arith.constant 0.000000e+00 : f32
        %broadcast_in_dim3A_298 = vector.broadcast %jit3A_297 : f32 to vector<16xf32>
        %select_n3A_299 = arith.select %lt3A_296, %get3A_292, %broadcast_in_dim3A_298 : vector<16xi1>, vector<16xf32>
        %add3A_300 = arith.addf %add3A_288, %select_n3A_299 : vector<16xf32>
        scf.yield %add3A_300 : vector<16xf32>
      }
      %while3A_167 = arith.constant 1 : i32
      %while3A_168 = scf.for %while3A_245 = %while3A_164 to %while3A_160 step %while3A_167 iter_args(%while3A_246 = %while3A_166) -> (vector<16xf32>)  : i32 {
        %mul3A_247 = arith.constant 64 : i32
        %mul3A_248 = arith.muli %mul3A_247, %while3A_245 : i32
        %add3A_249 = arith.addi %sub3A_153, %mul3A_248 : i32
        %mul3A_250 = arith.constant 64 : i32
        %mul3A_251 = arith.muli %mul3A_250, %while3A_245 : i32
        %sub3A_252 = arith.subi %sub3A_152, %mul3A_251 : i32
        %add3A_253 = arith.constant 0 : i32
        %add3A_254 = arith.addi %add3A_249, %add3A_253 : i32
        %get3A_255 = arith.index_cast %add3A_254 : i32 to index
        %get3A_256 = tpu.vector_load %arg10[%get3A_255] {strides = array<i32>} : memref<24672xf32, #tpu.memory_space<vmem>>, vector<16xf32>,
        %sub3A_257 = arith.constant 0 : i32
        %sub3A_258 = arith.subi %sub3A_252, %sub3A_257 : i32
        %lt3A_259 = vector.broadcast %sub3A_258 : i32 to vector<16xi32>
        %lt3A_260 = arith.cmpi slt, %iota3A, %lt3A_259 : vector<16xi32>
        %jit3A_261 = arith.constant 0.000000e+00 : f32
        %broadcast_in_dim3A_262 = vector.broadcast %jit3A_261 : f32 to vector<16xf32>
        %select_n3A_263 = arith.select %lt3A_260, %get3A_256, %broadcast_in_dim3A_262 : vector<16xi1>, vector<16xf32>
        %add3A_264 = arith.addf %while3A_246, %select_n3A_263 : vector<16xf32>
        %add3A_265 = arith.constant 16 : i32
        %add3A_266 = arith.addi %add3A_249, %add3A_265 : i32
        %get3A_267 = arith.index_cast %add3A_266 : i32 to index
        %get3A_268 = tpu.vector_load %arg10[%get3A_267] {strides = array<i32>} : memref<24672xf32, #tpu.memory_space<vmem>>, vector<16xf32>,
        %sub3A_269 = arith.constant 16 : i32
        %sub3A_270 = arith.subi %sub3A_252, %sub3A_269 : i32
        %lt3A_271 = vector.broadcast %sub3A_270 : i32 to vector<16xi32>
        %lt3A_272 = arith.cmpi slt, %iota3A, %lt3A_271 : vector<16xi32>
        %jit3A_273 = arith.constant 0.000000e+00 : f32
        %broadcast_in_dim3A_274 = vector.broadcast %jit3A_273 : f32 to vector<16xf32>
        %select_n3A_275 = arith.select %lt3A_272, %get3A_268, %broadcast_in_dim3A_274 : vector<16xi1>, vector<16xf32>
        %add3A_276 = arith.addf %add3A_264, %select_n3A_275 : vector<16xf32>
        %add3A_277 = arith.constant 32 : i32
        %add3A_278 = arith.addi %add3A_249, %add3A_277 : i32
        %get3A_279 = arith.index_cast %add3A_278 : i32 to index
        %get3A_280 = tpu.vector_load %arg10[%get3A_279] {strides = array<i32>} : memref<24672xf32, #tpu.memory_space<vmem>>, vector<16xf32>,
        %sub3A_281 = arith.constant 32 : i32
        %sub3A_282 = arith.subi %sub3A_252, %sub3A_281 : i32
        %lt3A_283 = vector.broadcast %sub3A_282 : i32 to vector<16xi32>
        %lt3A_284 = arith.cmpi slt, %iota3A, %lt3A_283 : vector<16xi32>
        %jit3A_285 = arith.constant 0.000000e+00 : f32
        %broadcast_in_dim3A_286 = vector.broadcast %jit3A_285 : f32 to vector<16xf32>
        %select_n3A_287 = arith.select %lt3A_284, %get3A_280, %broadcast_in_dim3A_286 : vector<16xi1>, vector<16xf32>
        %add3A_288 = arith.addf %add3A_276, %select_n3A_287 : vector<16xf32>
        %add3A_289 = arith.constant 48 : i32
        %add3A_290 = arith.addi %add3A_249, %add3A_289 : i32
        %get3A_291 = arith.index_cast %add3A_290 : i32 to index
        %get3A_292 = tpu.vector_load %arg10[%get3A_291] {strides = array<i32>} : memref<24672xf32, #tpu.memory_space<vmem>>, vector<16xf32>,
        %sub3A_293 = arith.constant 48 : i32
        %sub3A_294 = arith.subi %sub3A_252, %sub3A_293 : i32
        %lt3A_295 = vector.broadcast %sub3A_294 : i32 to vector<16xi32>
        %lt3A_296 = arith.cmpi slt, %iota3A, %lt3A_295 : vector<16xi32>
        %jit3A_297 = arith.constant 0.000000e+00 : f32
        %broadcast_in_dim3A_298 = vector.broadcast %jit3A_297 : f32 to vector<16xf32>
        %select_n3A_299 = arith.select %lt3A_296, %get3A_292, %broadcast_in_dim3A_298 : vector<16xi1>, vector<16xf32>
        %add3A_300 = arith.addf %add3A_288, %select_n3A_299 : vector<16xf32>
        scf.yield %add3A_300 : vector<16xf32>
      }
      %sub3A_169 = arith.subi %add3A_135, %multiple_of3A : i32
      %get3A_170 = arith.index_cast %sub3A_169 : i32 to index
      %get3A_171 = tpu.vector_load %arg13[%get3A_170] {strides = array<i32>} : memref<40xf32, #tpu.memory_space<vmem>>, vector<16xf32>,
      %slice3A_172 = vector.extract_strided_slice %get3A_171 {offsets = [0], sizes = [1], strides = [1]} : vector<16xf32> to vector<1xf32>
      %squeeze3A_173 = vector.extract %slice3A_172[0] : f32 from vector<1xf32>
      %broadcast_in_dim3A_174 = vector.broadcast %squeeze3A_173 : f32 to vector<16xf32>
      %exp3A = math.exp %broadcast_in_dim3A_174 : vector<16xf32>
      %reduce_max3A = arith.constant true
      %reduce_max3A_175 = vector.broadcast %reduce_max3A : i1 to vector<16xi1>
      %reduce_max3A_176 = tpu.scan <max>, %exp3A masked %reduce_max3A_175 : vector<16xf32>, vector<16xi1> -> vector<16xf32>
      %reduce_max3A_177 = vector.extract %reduce_max3A_176[15] : f32 from vector<16xf32>
      %reduce_sum3A = arith.constant true
      %reduce_sum3A_178 = vector.broadcast %reduce_sum3A : i1 to vector<16xi1>
      %reduce_sum3A_179 = tpu.scan <sum>, %while3A_168 masked %reduce_sum3A_178 : vector<16xf32>, vector<16xi1> -> vector<16xf32>
      %reduce_sum3A_180 = vector.extract %reduce_sum3A_179[15] : f32 from vector<16xf32>
      %add3A_181 = arith.addf %reduce_sum3A_180, %reduce_max3A_177 : f32
      %broadcast_in_dim3A_182 = vector.broadcast %add3A_181 : f32 to vector<16xf32>
      %div3A = arith.constant 1.000000e+00 : f32
      %div3A_183 = vector.broadcast %div3A : f32 to vector<16xf32>
      %div3A_184 = arith.divf %div3A_183, %broadcast_in_dim3A_182 : vector<16xf32>
      %broadcast_in_dim3A_185 = arith.constant -1.000000e+00 : f32
      %broadcast_in_dim3A_186 = vector.broadcast %broadcast_in_dim3A_185 : f32 to vector<16xf32>
      %broadcast_in_dim3A_187 = arith.constant -1 : i32
      %broadcast_in_dim3A_188 = vector.broadcast %broadcast_in_dim3A_187 : i32 to vector<16xi32>
      %while3A_189 = arith.constant 0 : i32
      %while3A_190 = arith.subi %shift_right_arithmetic3A_157, %while3A_189 : i32
      %while3A_191 = arith.addi %while3A_189, %while3A_190 : i32
      %while3A_192 = arith.constant 1 : i32
      %while3A_193 = arith.divsi %while3A_190, %while3A_192 : i32
      %while3A_194 = arith.muli %while3A_193, %while3A_192 : i32
      %while3A_195 = arith.addi %while3A_189, %while3A_194 : i32
      %while3A_196 = arith.constant 1 : i32
      %while3A_197:2 = scf.for %while3A_245 = %while3A_189 to %while3A_195 step %while3A_196 iter_args(%while3A_246 = %broadcast_in_dim3A_186, %while3A_247 = %broadcast_in_dim3A_188) -> (vector<16xf32>, vector<16xi32>)  : i32 {
        %mul3A_248 = arith.constant 64 : i32
        %mul3A_249 = arith.muli %mul3A_248, %while3A_245 : i32
        %add3A_250 = arith.addi %sub3A_153, %mul3A_249 : i32
        %mul3A_251 = arith.constant 64 : i32
        %mul3A_252 = arith.muli %mul3A_251, %while3A_245 : i32
        %sub3A_253 = arith.subi %sub3A_152, %mul3A_252 : i32
        %add3A_254 = arith.constant 0 : i32
        %add3A_255 = arith.addi %add3A_250, %add3A_254 : i32
        %get3A_256 = arith.index_cast %add3A_255 : i32 to index
        %get3A_257 = tpu.vector_load %arg10[%get3A_256] {strides = array<i32>} : memref<24672xf32, #tpu.memory_space<vmem>>, vector<16xf32>,
        %get3A_258 = arith.index_cast %add3A_255 : i32 to index
        %get3A_259 = tpu.vector_load %arg11[%get3A_258] {strides = array<i32>} : memref<24672xf32, #tpu.memory_space<vmem>>, vector<16xf32>,
        %sub3A_260 = arith.constant 0 : i32
        %sub3A_261 = arith.subi %sub3A_253, %sub3A_260 : i32
        %lt3A_262 = vector.broadcast %sub3A_261 : i32 to vector<16xi32>
        %lt3A_263 = arith.cmpi slt, %iota3A, %lt3A_262 : vector<16xi32>
        %mul3A_264 = arith.mulf %get3A_257, %div3A_184 : vector<16xf32>
        %select_n3A_265 = arith.select %lt3A_263, %mul3A_264, %get3A_257 : vector<16xi1>, vector<16xf32>
        %swap3A_266 = arith.index_cast %add3A_255 : i32 to index
        %swap3A_267 = tpu.vector_load %arg10[%swap3A_266] {strides = array<i32>} : memref<24672xf32, #tpu.memory_space<vmem>>, vector<16xf32>,
        tpu.vector_store %arg10[%swap3A_266], %select_n3A_265 {strides = array<i32>} : memref<24672xf32, #tpu.memory_space<vmem>>, vector<16xf32>,
        %add3A_268 = arith.constant 9.99999971E-10 : f32
        %add3A_269 = vector.broadcast %add3A_268 : f32 to vector<16xf32>
        %add3A_270 = arith.addf %mul3A_264, %add3A_269 : vector<16xf32>
        %mul3A_271 = arith.mulf %add3A_270, %get3A_259 : vector<16xf32>
        %jit3A_272 = arith.constant 0.000000e+00 : f32
        %broadcast_in_dim3A_273 = vector.broadcast %jit3A_272 : f32 to vector<16xf32>
        %select_n3A_274 = arith.select %lt3A_263, %mul3A_271, %broadcast_in_dim3A_273 : vector<16xi1>, vector<16xf32>
        %mul3A_275 = arith.constant 64 : i32
        %mul3A_276 = arith.muli %mul3A_275, %while3A_245 : i32
        %add3A_277 = arith.addi %mul3A_142, %mul3A_276 : i32
        %add3A_278 = arith.constant 0 : i32
        %add3A_279 = arith.addi %add3A_277, %add3A_278 : i32
        %add3A_280 = vector.broadcast %add3A_279 : i32 to vector<16xi32>
        %add3A_281 = arith.addi %add3A_280, %iota3A : vector<16xi32>
        %ge3A = arith.cmpf oge, %select_n3A_274, %while3A_246 : vector<16xf32>
        %select_n3A_282 = arith.select %ge3A, %select_n3A_274, %while3A_246 : vector<16xi1>, vector<16xf32>
        %select_n3A_283 = arith.select %ge3A, %add3A_281, %while3A_247 : vector<16xi1>, vector<16xi32>
        %add3A_284 = arith.constant 16 : i32
        %add3A_285 = arith.addi %add3A_250, %add3A_284 : i32
        %get3A_286 = arith.index_cast %add3A_285 : i32 to index
        %get3A_287 = tpu.vector_load %arg10[%get3A_286] {strides = array<i32>} : memref<24672xf32, #tpu.memory_space<vmem>>, vector<16xf32>,
        %get3A_288 = arith.index_cast %add3A_285 : i32 to index
        %get3A_289 = tpu.vector_load %arg11[%get3A_288] {strides = array<i32>} : memref<24672xf32, #tpu.memory_space<vmem>>, vector<16xf32>,
        %sub3A_290 = arith.constant 16 : i32
        %sub3A_291 = arith.subi %sub3A_253, %sub3A_290 : i32
        %lt3A_292 = vector.broadcast %sub3A_291 : i32 to vector<16xi32>
        %lt3A_293 = arith.cmpi slt, %iota3A, %lt3A_292 : vector<16xi32>
        %mul3A_294 = arith.mulf %get3A_287, %div3A_184 : vector<16xf32>
        %select_n3A_295 = arith.select %lt3A_293, %mul3A_294, %get3A_287 : vector<16xi1>, vector<16xf32>
        %swap3A_296 = arith.index_cast %add3A_285 : i32 to index
        %swap3A_297 = tpu.vector_load %arg10[%swap3A_296] {strides = array<i32>} : memref<24672xf32, #tpu.memory_space<vmem>>, vector<16xf32>,
        tpu.vector_store %arg10[%swap3A_296], %select_n3A_295 {strides = array<i32>} : memref<24672xf32, #tpu.memory_space<vmem>>, vector<16xf32>,
        %add3A_298 = arith.constant 9.99999971E-10 : f32
        %add3A_299 = vector.broadcast %add3A_298 : f32 to vector<16xf32>
        %add3A_300 = arith.addf %mul3A_294, %add3A_299 : vector<16xf32>
        %mul3A_301 = arith.mulf %add3A_300, %get3A_289 : vector<16xf32>
        %jit3A_302 = arith.constant 0.000000e+00 : f32
        %broadcast_in_dim3A_303 = vector.broadcast %jit3A_302 : f32 to vector<16xf32>
        %select_n3A_304 = arith.select %lt3A_293, %mul3A_301, %broadcast_in_dim3A_303 : vector<16xi1>, vector<16xf32>
        %mul3A_305 = arith.constant 64 : i32
        %mul3A_306 = arith.muli %mul3A_305, %while3A_245 : i32
        %add3A_307 = arith.addi %mul3A_142, %mul3A_306 : i32
        %add3A_308 = arith.constant 16 : i32
        %add3A_309 = arith.addi %add3A_307, %add3A_308 : i32
        %add3A_310 = vector.broadcast %add3A_309 : i32 to vector<16xi32>
        %add3A_311 = arith.addi %add3A_310, %iota3A : vector<16xi32>
        %ge3A_312 = arith.cmpf oge, %select_n3A_304, %select_n3A_282 : vector<16xf32>
        %select_n3A_313 = arith.select %ge3A_312, %select_n3A_304, %select_n3A_282 : vector<16xi1>, vector<16xf32>
        %select_n3A_314 = arith.select %ge3A_312, %add3A_311, %select_n3A_283 : vector<16xi1>, vector<16xi32>
        %add3A_315 = arith.constant 32 : i32
        %add3A_316 = arith.addi %add3A_250, %add3A_315 : i32
        %get3A_317 = arith.index_cast %add3A_316 : i32 to index
        %get3A_318 = tpu.vector_load %arg10[%get3A_317] {strides = array<i32>} : memref<24672xf32, #tpu.memory_space<vmem>>, vector<16xf32>,
        %get3A_319 = arith.index_cast %add3A_316 : i32 to index
        %get3A_320 = tpu.vector_load %arg11[%get3A_319] {strides = array<i32>} : memref<24672xf32, #tpu.memory_space<vmem>>, vector<16xf32>,
        %sub3A_321 = arith.constant 32 : i32
        %sub3A_322 = arith.subi %sub3A_253, %sub3A_321 : i32
        %lt3A_323 = vector.broadcast %sub3A_322 : i32 to vector<16xi32>
        %lt3A_324 = arith.cmpi slt, %iota3A, %lt3A_323 : vector<16xi32>
        %mul3A_325 = arith.mulf %get3A_318, %div3A_184 : vector<16xf32>
        %select_n3A_326 = arith.select %lt3A_324, %mul3A_325, %get3A_318 : vector<16xi1>, vector<16xf32>
        %swap3A_327 = arith.index_cast %add3A_316 : i32 to index
        %swap3A_328 = tpu.vector_load %arg10[%swap3A_327] {strides = array<i32>} : memref<24672xf32, #tpu.memory_space<vmem>>, vector<16xf32>,
        tpu.vector_store %arg10[%swap3A_327], %select_n3A_326 {strides = array<i32>} : memref<24672xf32, #tpu.memory_space<vmem>>, vector<16xf32>,
        %add3A_329 = arith.constant 9.99999971E-10 : f32
        %add3A_330 = vector.broadcast %add3A_329 : f32 to vector<16xf32>
        %add3A_331 = arith.addf %mul3A_325, %add3A_330 : vector<16xf32>
        %mul3A_332 = arith.mulf %add3A_331, %get3A_320 : vector<16xf32>
        %jit3A_333 = arith.constant 0.000000e+00 : f32
        %broadcast_in_dim3A_334 = vector.broadcast %jit3A_333 : f32 to vector<16xf32>
        %select_n3A_335 = arith.select %lt3A_324, %mul3A_332, %broadcast_in_dim3A_334 : vector<16xi1>, vector<16xf32>
        %mul3A_336 = arith.constant 64 : i32
        %mul3A_337 = arith.muli %mul3A_336, %while3A_245 : i32
        %add3A_338 = arith.addi %mul3A_142, %mul3A_337 : i32
        %add3A_339 = arith.constant 32 : i32
        %add3A_340 = arith.addi %add3A_338, %add3A_339 : i32
        %add3A_341 = vector.broadcast %add3A_340 : i32 to vector<16xi32>
        %add3A_342 = arith.addi %add3A_341, %iota3A : vector<16xi32>
        %ge3A_343 = arith.cmpf oge, %select_n3A_335, %select_n3A_313 : vector<16xf32>
        %select_n3A_344 = arith.select %ge3A_343, %select_n3A_335, %select_n3A_313 : vector<16xi1>, vector<16xf32>
        %select_n3A_345 = arith.select %ge3A_343, %add3A_342, %select_n3A_314 : vector<16xi1>, vector<16xi32>
        %add3A_346 = arith.constant 48 : i32
        %add3A_347 = arith.addi %add3A_250, %add3A_346 : i32
        %get3A_348 = arith.index_cast %add3A_347 : i32 to index
        %get3A_349 = tpu.vector_load %arg10[%get3A_348] {strides = array<i32>} : memref<24672xf32, #tpu.memory_space<vmem>>, vector<16xf32>,
        %get3A_350 = arith.index_cast %add3A_347 : i32 to index
        %get3A_351 = tpu.vector_load %arg11[%get3A_350] {strides = array<i32>} : memref<24672xf32, #tpu.memory_space<vmem>>, vector<16xf32>,
        %sub3A_352 = arith.constant 48 : i32
        %sub3A_353 = arith.subi %sub3A_253, %sub3A_352 : i32
        %lt3A_354 = vector.broadcast %sub3A_353 : i32 to vector<16xi32>
        %lt3A_355 = arith.cmpi slt, %iota3A, %lt3A_354 : vector<16xi32>
        %mul3A_356 = arith.mulf %get3A_349, %div3A_184 : vector<16xf32>
        %select_n3A_357 = arith.select %lt3A_355, %mul3A_356, %get3A_349 : vector<16xi1>, vector<16xf32>
        %swap3A_358 = arith.index_cast %add3A_347 : i32 to index
        %swap3A_359 = tpu.vector_load %arg10[%swap3A_358] {strides = array<i32>} : memref<24672xf32, #tpu.memory_space<vmem>>, vector<16xf32>,
        tpu.vector_store %arg10[%swap3A_358], %select_n3A_357 {strides = array<i32>} : memref<24672xf32, #tpu.memory_space<vmem>>, vector<16xf32>,
        %add3A_360 = arith.constant 9.99999971E-10 : f32
        %add3A_361 = vector.broadcast %add3A_360 : f32 to vector<16xf32>
        %add3A_362 = arith.addf %mul3A_356, %add3A_361 : vector<16xf32>
        %mul3A_363 = arith.mulf %add3A_362, %get3A_351 : vector<16xf32>
        %jit3A_364 = arith.constant 0.000000e+00 : f32
        %broadcast_in_dim3A_365 = vector.broadcast %jit3A_364 : f32 to vector<16xf32>
        %select_n3A_366 = arith.select %lt3A_355, %mul3A_363, %broadcast_in_dim3A_365 : vector<16xi1>, vector<16xf32>
        %mul3A_367 = arith.constant 64 : i32
        %mul3A_368 = arith.muli %mul3A_367, %while3A_245 : i32
        %add3A_369 = arith.addi %mul3A_142, %mul3A_368 : i32
        %add3A_370 = arith.constant 48 : i32
        %add3A_371 = arith.addi %add3A_369, %add3A_370 : i32
        %add3A_372 = vector.broadcast %add3A_371 : i32 to vector<16xi32>
        %add3A_373 = arith.addi %add3A_372, %iota3A : vector<16xi32>
        %ge3A_374 = arith.cmpf oge, %select_n3A_366, %select_n3A_344 : vector<16xf32>
        %select_n3A_375 = arith.select %ge3A_374, %select_n3A_366, %select_n3A_344 : vector<16xi1>, vector<16xf32>
        %select_n3A_376 = arith.select %ge3A_374, %add3A_373, %select_n3A_345 : vector<16xi1>, vector<16xi32>
        scf.yield %select_n3A_375, %select_n3A_376 : vector<16xf32>, vector<16xi32>
      }
      %while3A_198 = arith.constant 1 : i32
      %while3A_199:2 = scf.for %while3A_245 = %while3A_195 to %while3A_191 step %while3A_198 iter_args(%while3A_246 = %while3A_197#0, %while3A_247 = %while3A_197#1) -> (vector<16xf32>, vector<16xi32>)  : i32 {
        %mul3A_248 = arith.constant 64 : i32
        %mul3A_249 = arith.muli %mul3A_248, %while3A_245 : i32
        %add3A_250 = arith.addi %sub3A_153, %mul3A_249 : i32
        %mul3A_251 = arith.constant 64 : i32
        %mul3A_252 = arith.muli %mul3A_251, %while3A_245 : i32
        %sub3A_253 = arith.subi %sub3A_152, %mul3A_252 : i32
        %add3A_254 = arith.constant 0 : i32
        %add3A_255 = arith.addi %add3A_250, %add3A_254 : i32
        %get3A_256 = arith.index_cast %add3A_255 : i32 to index
        %get3A_257 = tpu.vector_load %arg10[%get3A_256] {strides = array<i32>} : memref<24672xf32, #tpu.memory_space<vmem>>, vector<16xf32>,
        %get3A_258 = arith.index_cast %add3A_255 : i32 to index
        %get3A_259 = tpu.vector_load %arg11[%get3A_258] {strides = array<i32>} : memref<24672xf32, #tpu.memory_space<vmem>>, vector<16xf32>,
        %sub3A_260 = arith.constant 0 : i32
        %sub3A_261 = arith.subi %sub3A_253, %sub3A_260 : i32
        %lt3A_262 = vector.broadcast %sub3A_261 : i32 to vector<16xi32>
        %lt3A_263 = arith.cmpi slt, %iota3A, %lt3A_262 : vector<16xi32>
        %mul3A_264 = arith.mulf %get3A_257, %div3A_184 : vector<16xf32>
        %select_n3A_265 = arith.select %lt3A_263, %mul3A_264, %get3A_257 : vector<16xi1>, vector<16xf32>
        %swap3A_266 = arith.index_cast %add3A_255 : i32 to index
        %swap3A_267 = tpu.vector_load %arg10[%swap3A_266] {strides = array<i32>} : memref<24672xf32, #tpu.memory_space<vmem>>, vector<16xf32>,
        tpu.vector_store %arg10[%swap3A_266], %select_n3A_265 {strides = array<i32>} : memref<24672xf32, #tpu.memory_space<vmem>>, vector<16xf32>,
        %add3A_268 = arith.constant 9.99999971E-10 : f32
        %add3A_269 = vector.broadcast %add3A_268 : f32 to vector<16xf32>
        %add3A_270 = arith.addf %mul3A_264, %add3A_269 : vector<16xf32>
        %mul3A_271 = arith.mulf %add3A_270, %get3A_259 : vector<16xf32>
        %jit3A_272 = arith.constant 0.000000e+00 : f32
        %broadcast_in_dim3A_273 = vector.broadcast %jit3A_272 : f32 to vector<16xf32>
        %select_n3A_274 = arith.select %lt3A_263, %mul3A_271, %broadcast_in_dim3A_273 : vector<16xi1>, vector<16xf32>
        %mul3A_275 = arith.constant 64 : i32
        %mul3A_276 = arith.muli %mul3A_275, %while3A_245 : i32
        %add3A_277 = arith.addi %mul3A_142, %mul3A_276 : i32
        %add3A_278 = arith.constant 0 : i32
        %add3A_279 = arith.addi %add3A_277, %add3A_278 : i32
        %add3A_280 = vector.broadcast %add3A_279 : i32 to vector<16xi32>
        %add3A_281 = arith.addi %add3A_280, %iota3A : vector<16xi32>
        %ge3A = arith.cmpf oge, %select_n3A_274, %while3A_246 : vector<16xf32>
        %select_n3A_282 = arith.select %ge3A, %select_n3A_274, %while3A_246 : vector<16xi1>, vector<16xf32>
        %select_n3A_283 = arith.select %ge3A, %add3A_281, %while3A_247 : vector<16xi1>, vector<16xi32>
        %add3A_284 = arith.constant 16 : i32
        %add3A_285 = arith.addi %add3A_250, %add3A_284 : i32
        %get3A_286 = arith.index_cast %add3A_285 : i32 to index
        %get3A_287 = tpu.vector_load %arg10[%get3A_286] {strides = array<i32>} : memref<24672xf32, #tpu.memory_space<vmem>>, vector<16xf32>,
        %get3A_288 = arith.index_cast %add3A_285 : i32 to index
        %get3A_289 = tpu.vector_load %arg11[%get3A_288] {strides = array<i32>} : memref<24672xf32, #tpu.memory_space<vmem>>, vector<16xf32>,
        %sub3A_290 = arith.constant 16 : i32
        %sub3A_291 = arith.subi %sub3A_253, %sub3A_290 : i32
        %lt3A_292 = vector.broadcast %sub3A_291 : i32 to vector<16xi32>
        %lt3A_293 = arith.cmpi slt, %iota3A, %lt3A_292 : vector<16xi32>
        %mul3A_294 = arith.mulf %get3A_287, %div3A_184 : vector<16xf32>
        %select_n3A_295 = arith.select %lt3A_293, %mul3A_294, %get3A_287 : vector<16xi1>, vector<16xf32>
        %swap3A_296 = arith.index_cast %add3A_285 : i32 to index
        %swap3A_297 = tpu.vector_load %arg10[%swap3A_296] {strides = array<i32>} : memref<24672xf32, #tpu.memory_space<vmem>>, vector<16xf32>,
        tpu.vector_store %arg10[%swap3A_296], %select_n3A_295 {strides = array<i32>} : memref<24672xf32, #tpu.memory_space<vmem>>, vector<16xf32>,
        %add3A_298 = arith.constant 9.99999971E-10 : f32
        %add3A_299 = vector.broadcast %add3A_298 : f32 to vector<16xf32>
        %add3A_300 = arith.addf %mul3A_294, %add3A_299 : vector<16xf32>
        %mul3A_301 = arith.mulf %add3A_300, %get3A_289 : vector<16xf32>
        %jit3A_302 = arith.constant 0.000000e+00 : f32
        %broadcast_in_dim3A_303 = vector.broadcast %jit3A_302 : f32 to vector<16xf32>
        %select_n3A_304 = arith.select %lt3A_293, %mul3A_301, %broadcast_in_dim3A_303 : vector<16xi1>, vector<16xf32>
        %mul3A_305 = arith.constant 64 : i32
        %mul3A_306 = arith.muli %mul3A_305, %while3A_245 : i32
        %add3A_307 = arith.addi %mul3A_142, %mul3A_306 : i32
        %add3A_308 = arith.constant 16 : i32
        %add3A_309 = arith.addi %add3A_307, %add3A_308 : i32
        %add3A_310 = vector.broadcast %add3A_309 : i32 to vector<16xi32>
        %add3A_311 = arith.addi %add3A_310, %iota3A : vector<16xi32>
        %ge3A_312 = arith.cmpf oge, %select_n3A_304, %select_n3A_282 : vector<16xf32>
        %select_n3A_313 = arith.select %ge3A_312, %select_n3A_304, %select_n3A_282 : vector<16xi1>, vector<16xf32>
        %select_n3A_314 = arith.select %ge3A_312, %add3A_311, %select_n3A_283 : vector<16xi1>, vector<16xi32>
        %add3A_315 = arith.constant 32 : i32
        %add3A_316 = arith.addi %add3A_250, %add3A_315 : i32
        %get3A_317 = arith.index_cast %add3A_316 : i32 to index
        %get3A_318 = tpu.vector_load %arg10[%get3A_317] {strides = array<i32>} : memref<24672xf32, #tpu.memory_space<vmem>>, vector<16xf32>,
        %get3A_319 = arith.index_cast %add3A_316 : i32 to index
        %get3A_320 = tpu.vector_load %arg11[%get3A_319] {strides = array<i32>} : memref<24672xf32, #tpu.memory_space<vmem>>, vector<16xf32>,
        %sub3A_321 = arith.constant 32 : i32
        %sub3A_322 = arith.subi %sub3A_253, %sub3A_321 : i32
        %lt3A_323 = vector.broadcast %sub3A_322 : i32 to vector<16xi32>
        %lt3A_324 = arith.cmpi slt, %iota3A, %lt3A_323 : vector<16xi32>
        %mul3A_325 = arith.mulf %get3A_318, %div3A_184 : vector<16xf32>
        %select_n3A_326 = arith.select %lt3A_324, %mul3A_325, %get3A_318 : vector<16xi1>, vector<16xf32>
        %swap3A_327 = arith.index_cast %add3A_316 : i32 to index
        %swap3A_328 = tpu.vector_load %arg10[%swap3A_327] {strides = array<i32>} : memref<24672xf32, #tpu.memory_space<vmem>>, vector<16xf32>,
        tpu.vector_store %arg10[%swap3A_327], %select_n3A_326 {strides = array<i32>} : memref<24672xf32, #tpu.memory_space<vmem>>, vector<16xf32>,
        %add3A_329 = arith.constant 9.99999971E-10 : f32
        %add3A_330 = vector.broadcast %add3A_329 : f32 to vector<16xf32>
        %add3A_331 = arith.addf %mul3A_325, %add3A_330 : vector<16xf32>
        %mul3A_332 = arith.mulf %add3A_331, %get3A_320 : vector<16xf32>
        %jit3A_333 = arith.constant 0.000000e+00 : f32
        %broadcast_in_dim3A_334 = vector.broadcast %jit3A_333 : f32 to vector<16xf32>
        %select_n3A_335 = arith.select %lt3A_324, %mul3A_332, %broadcast_in_dim3A_334 : vector<16xi1>, vector<16xf32>
        %mul3A_336 = arith.constant 64 : i32
        %mul3A_337 = arith.muli %mul3A_336, %while3A_245 : i32
        %add3A_338 = arith.addi %mul3A_142, %mul3A_337 : i32
        %add3A_339 = arith.constant 32 : i32
        %add3A_340 = arith.addi %add3A_338, %add3A_339 : i32
        %add3A_341 = vector.broadcast %add3A_340 : i32 to vector<16xi32>
        %add3A_342 = arith.addi %add3A_341, %iota3A : vector<16xi32>
        %ge3A_343 = arith.cmpf oge, %select_n3A_335, %select_n3A_313 : vector<16xf32>
        %select_n3A_344 = arith.select %ge3A_343, %select_n3A_335, %select_n3A_313 : vector<16xi1>, vector<16xf32>
        %select_n3A_345 = arith.select %ge3A_343, %add3A_342, %select_n3A_314 : vector<16xi1>, vector<16xi32>
        %add3A_346 = arith.constant 48 : i32
        %add3A_347 = arith.addi %add3A_250, %add3A_346 : i32
        %get3A_348 = arith.index_cast %add3A_347 : i32 to index
        %get3A_349 = tpu.vector_load %arg10[%get3A_348] {strides = array<i32>} : memref<24672xf32, #tpu.memory_space<vmem>>, vector<16xf32>,
        %get3A_350 = arith.index_cast %add3A_347 : i32 to index
        %get3A_351 = tpu.vector_load %arg11[%get3A_350] {strides = array<i32>} : memref<24672xf32, #tpu.memory_space<vmem>>, vector<16xf32>,
        %sub3A_352 = arith.constant 48 : i32
        %sub3A_353 = arith.subi %sub3A_253, %sub3A_352 : i32
        %lt3A_354 = vector.broadcast %sub3A_353 : i32 to vector<16xi32>
        %lt3A_355 = arith.cmpi slt, %iota3A, %lt3A_354 : vector<16xi32>
        %mul3A_356 = arith.mulf %get3A_349, %div3A_184 : vector<16xf32>
        %select_n3A_357 = arith.select %lt3A_355, %mul3A_356, %get3A_349 : vector<16xi1>, vector<16xf32>
        %swap3A_358 = arith.index_cast %add3A_347 : i32 to index
        %swap3A_359 = tpu.vector_load %arg10[%swap3A_358] {strides = array<i32>} : memref<24672xf32, #tpu.memory_space<vmem>>, vector<16xf32>,
        tpu.vector_store %arg10[%swap3A_358], %select_n3A_357 {strides = array<i32>} : memref<24672xf32, #tpu.memory_space<vmem>>, vector<16xf32>,
        %add3A_360 = arith.constant 9.99999971E-10 : f32
        %add3A_361 = vector.broadcast %add3A_360 : f32 to vector<16xf32>
        %add3A_362 = arith.addf %mul3A_356, %add3A_361 : vector<16xf32>
        %mul3A_363 = arith.mulf %add3A_362, %get3A_351 : vector<16xf32>
        %jit3A_364 = arith.constant 0.000000e+00 : f32
        %broadcast_in_dim3A_365 = vector.broadcast %jit3A_364 : f32 to vector<16xf32>
        %select_n3A_366 = arith.select %lt3A_355, %mul3A_363, %broadcast_in_dim3A_365 : vector<16xi1>, vector<16xf32>
        %mul3A_367 = arith.constant 64 : i32
        %mul3A_368 = arith.muli %mul3A_367, %while3A_245 : i32
        %add3A_369 = arith.addi %mul3A_142, %mul3A_368 : i32
        %add3A_370 = arith.constant 48 : i32
        %add3A_371 = arith.addi %add3A_369, %add3A_370 : i32
        %add3A_372 = vector.broadcast %add3A_371 : i32 to vector<16xi32>
        %add3A_373 = arith.addi %add3A_372, %iota3A : vector<16xi32>
        %ge3A_374 = arith.cmpf oge, %select_n3A_366, %select_n3A_344 : vector<16xf32>
        %select_n3A_375 = arith.select %ge3A_374, %select_n3A_366, %select_n3A_344 : vector<16xi1>, vector<16xf32>
        %select_n3A_376 = arith.select %ge3A_374, %add3A_373, %select_n3A_345 : vector<16xi1>, vector<16xi32>
        scf.yield %select_n3A_375, %select_n3A_376 : vector<16xf32>, vector<16xi32>
      }
      %reduce_max3A_200 = arith.constant true
      %reduce_max3A_201 = vector.broadcast %reduce_max3A_200 : i1 to vector<16xi1>
      %reduce_max3A_202 = tpu.scan <max>, %while3A_199#0 masked %reduce_max3A_201 : vector<16xf32>, vector<16xi1> -> vector<16xf32>
      %reduce_max3A_203 = vector.extract %reduce_max3A_202[15] : f32 from vector<16xf32>
      %eq3A_204 = vector.broadcast %reduce_max3A_203 : f32 to vector<16xf32>
      %eq3A_205 = arith.cmpf oeq, %while3A_199#0, %eq3A_204 : vector<16xf32>
      %jit3A_206 = arith.constant -1 : i32
      %broadcast_in_dim3A_207 = vector.broadcast %jit3A_206 : i32 to vector<16xi32>
      %select_n3A_208 = arith.select %eq3A_205, %while3A_199#1, %broadcast_in_dim3A_207 : vector<16xi1>, vector<16xi32>
      %reduce_max3A_209 = arith.constant true
      %reduce_max3A_210 = vector.broadcast %reduce_max3A_209 : i1 to vector<16xi1>
      %reduce_max3A_211 = arith.constant -2147483648 : i32
      %reduce_max3A_212 = vector.broadcast %reduce_max3A_211 : i32 to vector<16xi32>
      %reduce_max3A_213 = arith.xori %select_n3A_208, %reduce_max3A_212 : vector<16xi32>
      %reduce_max3A_214 = tpu.scan <max>, %reduce_max3A_213 masked %reduce_max3A_210 : vector<16xi32>, vector<16xi1> -> vector<16xi32>
      %reduce_max3A_215 = arith.xori %reduce_max3A_214, %reduce_max3A_212 : vector<16xi32>
      %reduce_max3A_216 = vector.extract %reduce_max3A_215[15] : i32 from vector<16xi32>
      %convert_element_type3A_217 = arith.sitofp %reduce_max3A_216 : i32 to f32
      %mul3A_218 = arith.constant 2.000000e-01 : f32
      %mul3A_219 = arith.mulf %convert_element_type3A_217, %mul3A_218 : f32
      %convert_element_type3A_220 = arith.fptosi %mul3A_219 : f32 to i32
      %mul3A_221 = arith.constant 5 : i32
      %mul3A_222 = arith.muli %mul3A_221, %convert_element_type3A_220 : i32
      %lt3A = arith.cmpi slt, %reduce_max3A_216, %mul3A_222 : i32
      %jit3A_223 = arith.constant 1 : i32
      %jit3A_224 = arith.constant 0 : i32
      %select_n3A_225 = arith.select %lt3A, %jit3A_223, %jit3A_224 : i32
      %sub3A_226 = arith.subi %convert_element_type3A_220, %select_n3A_225 : i32
      %mul3A_227 = arith.constant 5 : i32
      %mul3A_228 = arith.muli %mul3A_227, %sub3A_226 : i32
      %sub3A_229 = arith.subi %reduce_max3A_216, %mul3A_228 : i32
      %gt3A_230 = arith.cmpi sgt, %mul3A_151, %mul3A_142 : i32
      %sub3A_231 = arith.constant 1 : i32
      %sub3A_232 = arith.subi %while3A_129, %sub3A_231 : i32
      %eq3A_233 = vector.broadcast %sub3A_232 : i32 to vector<16xi32>
      %eq3A_234 = arith.cmpi eq, %iota3A, %eq3A_233 : vector<16xi32>
      %div3A_235 = arith.divf %exp3A, %broadcast_in_dim3A_182 : vector<16xf32>
      %select_n3A_236 = arith.select %eq3A_234, %div3A_235, %while3A_130 : vector<16xi1>, vector<16xf32>
      %jit3A_237 = arith.constant -2147483648 : i32
      %select_n3A_238 = arith.select %gt3A_230, %sub3A_226, %jit3A_237 : i32
      %broadcast_in_dim3A_239 = vector.broadcast %select_n3A_238 : i32 to vector<16xi32>
      %select_n3A_240 = arith.select %eq3A_234, %broadcast_in_dim3A_239, %while3A_131 : vector<16xi1>, vector<16xi32>
      %jit3A_241 = arith.constant 0 : i32
      %select_n3A_242 = arith.select %gt3A_230, %sub3A_229, %jit3A_241 : i32
      %broadcast_in_dim3A_243 = vector.broadcast %select_n3A_242 : i32 to vector<16xi32>
      %select_n3A_244 = arith.select %eq3A_234, %broadcast_in_dim3A_243, %while3A_132 : vector<16xi1>, vector<16xi32>
      scf.yield %select_n3A_236, %select_n3A_240, %select_n3A_244 : vector<16xf32>, vector<16xi32>, vector<16xi32>
    }
    %swap3A = arith.constant 0 : index
    %swap3A_61 = tpu.vector_load %arg14[%swap3A] {strides = array<i32>} : memref<16xf32, #tpu.memory_space<vmem>>, vector<16xf32>,
    tpu.vector_store %arg14[%swap3A], %while3A_60#0 {strides = array<i32>} : memref<16xf32, #tpu.memory_space<vmem>>, vector<16xf32>,
    %swap3A_62 = arith.constant 0 : index
    %swap3A_63 = tpu.vector_load %arg15[%swap3A_62] {strides = array<i32>} : memref<16xi32, #tpu.memory_space<vmem>>, vector<16xi32>,
    tpu.vector_store %arg15[%swap3A_62], %while3A_60#1 {strides = array<i32>} : memref<16xi32, #tpu.memory_space<vmem>>, vector<16xi32>,
    %swap3A_64 = arith.constant 0 : index
    %swap3A_65 = tpu.vector_load %arg16[%swap3A_64] {strides = array<i32>} : memref<16xi32, #tpu.memory_space<vmem>>, vector<16xi32>,
    tpu.vector_store %arg16[%swap3A_64], %while3A_60#2 {strides = array<i32>} : memref<16xi32, #tpu.memory_space<vmem>>, vector<16xi32>,
    %multiple_of3A_66 = tpu.assume_multiple %mul3A_2, 8 : i32
    "tpu.region"() ({
      %run_scoped3A = tpu.sem_alloc : memref<!tpu.dma_semaphore, #tpu.memory_space<semaphore_mem>>
      %dma_start3A_129 = tpu.memref_slice %arg7[%multiple_of3A_66] : memref<512xf32, #tpu.memory_space<hbm>> -> memref<16xf32, #tpu.memory_space<hbm>>
      %dma_start3A_130 = tpu.memref_slice %arg7[%multiple_of3A_66] : memref<512xf32, #tpu.memory_space<hbm>> -> memref<16xf32, #tpu.memory_space<hbm>>
      tpu.enqueue_dma source(%arg14 : memref<16xf32, #tpu.memory_space<vmem>>) target(%dma_start3A_130 : memref<16xf32, #tpu.memory_space<hbm>>) target_semaphore(%run_scoped3A : memref<!tpu.dma_semaphore, #tpu.memory_space<semaphore_mem>>)
      %dma_wait3A_131 = tpu.memref_slice %arg7[%multiple_of3A_66] : memref<512xf32, #tpu.memory_space<hbm>> -> memref<16xf32, #tpu.memory_space<hbm>>
      %dma_wait3A_132 = tpu.memref_slice %arg7[%multiple_of3A_66] : memref<512xf32, #tpu.memory_space<hbm>> -> memref<16xf32, #tpu.memory_space<hbm>>
      tpu.wait_dma2 semaphore(%run_scoped3A : memref<!tpu.dma_semaphore, #tpu.memory_space<semaphore_mem>>) src(%arg14 : memref<16xf32, #tpu.memory_space<vmem>>) dst(%dma_wait3A_132 : memref<16xf32, #tpu.memory_space<hbm>>)
      tpu.yield
    }) : () -> ()
    "tpu.region"() ({
      %run_scoped3A = tpu.sem_alloc : memref<!tpu.dma_semaphore, #tpu.memory_space<semaphore_mem>>
      %dma_start3A_129 = tpu.memref_slice %arg8[%multiple_of3A_66] : memref<512xi32, #tpu.memory_space<hbm>> -> memref<16xi32, #tpu.memory_space<hbm>>
      %dma_start3A_130 = tpu.memref_slice %arg8[%multiple_of3A_66] : memref<512xi32, #tpu.memory_space<hbm>> -> memref<16xi32, #tpu.memory_space<hbm>>
      tpu.enqueue_dma source(%arg15 : memref<16xi32, #tpu.memory_space<vmem>>) target(%dma_start3A_130 : memref<16xi32, #tpu.memory_space<hbm>>) target_semaphore(%run_scoped3A : memref<!tpu.dma_semaphore, #tpu.memory_space<semaphore_mem>>)
      %dma_wait3A_131 = tpu.memref_slice %arg8[%multiple_of3A_66] : memref<512xi32, #tpu.memory_space<hbm>> -> memref<16xi32, #tpu.memory_space<hbm>>
      %dma_wait3A_132 = tpu.memref_slice %arg8[%multiple_of3A_66] : memref<512xi32, #tpu.memory_space<hbm>> -> memref<16xi32, #tpu.memory_space<hbm>>
      tpu.wait_dma2 semaphore(%run_scoped3A : memref<!tpu.dma_semaphore, #tpu.memory_space<semaphore_mem>>) src(%arg15 : memref<16xi32, #tpu.memory_space<vmem>>) dst(%dma_wait3A_132 : memref<16xi32, #tpu.memory_space<hbm>>)
      tpu.yield
    }) : () -> ()
    "tpu.region"() ({
      %run_scoped3A = tpu.sem_alloc : memref<!tpu.dma_semaphore, #tpu.memory_space<semaphore_mem>>
      %dma_start3A_129 = tpu.memref_slice %arg9[%multiple_of3A_66] : memref<512xi32, #tpu.memory_space<hbm>> -> memref<16xi32, #tpu.memory_space<hbm>>
      %dma_start3A_130 = tpu.memref_slice %arg9[%multiple_of3A_66] : memref<512xi32, #tpu.memory_space<hbm>> -> memref<16xi32, #tpu.memory_space<hbm>>
      tpu.enqueue_dma source(%arg16 : memref<16xi32, #tpu.memory_space<vmem>>) target(%dma_start3A_130 : memref<16xi32, #tpu.memory_space<hbm>>) target_semaphore(%run_scoped3A : memref<!tpu.dma_semaphore, #tpu.memory_space<semaphore_mem>>)
      %dma_wait3A_131 = tpu.memref_slice %arg9[%multiple_of3A_66] : memref<512xi32, #tpu.memory_space<hbm>> -> memref<16xi32, #tpu.memory_space<hbm>>
      %dma_wait3A_132 = tpu.memref_slice %arg9[%multiple_of3A_66] : memref<512xi32, #tpu.memory_space<hbm>> -> memref<16xi32, #tpu.memory_space<hbm>>
      tpu.wait_dma2 semaphore(%run_scoped3A : memref<!tpu.dma_semaphore, #tpu.memory_space<semaphore_mem>>) src(%arg16 : memref<16xi32, #tpu.memory_space<vmem>>) dst(%dma_wait3A_132 : memref<16xi32, #tpu.memory_space<hbm>>)
      tpu.yield
    }) : () -> ()
    %sub3A_67 = arith.subi %mul3A_2, %multiple_of3A : i32
    %get3A_68 = arith.index_cast %sub3A_67 : i32 to index
    %get3A_69 = tpu.vector_load %arg12[%get3A_68] {strides = array<i32>} : memref<48xi32, #tpu.memory_space<vmem>>, vector<16xi32>,
    %slice3A_70 = vector.extract_strided_slice %get3A_69 {offsets = [0], sizes = [1], strides = [1]} : vector<16xi32> to vector<1xi32>
    %squeeze3A_71 = vector.extract %slice3A_70[0] : i32 from vector<1xi32>
    %mul3A_72 = arith.constant 5 : i32
    %mul3A_73 = arith.muli %mul3A_72, %squeeze3A_71 : i32
    %add3A_74 = arith.constant 16 : i32
    %add3A_75 = arith.addi %mul3A_2, %add3A_74 : i32
    %sub3A_76 = arith.subi %add3A_75, %multiple_of3A : i32
    %get3A_77 = arith.index_cast %sub3A_76 : i32 to index
    %get3A_78 = tpu.vector_load %arg12[%get3A_77] {strides = array<i32>} : memref<48xi32, #tpu.memory_space<vmem>>, vector<16xi32>,
    %slice3A_79 = vector.extract_strided_slice %get3A_78 {offsets = [0], sizes = [1], strides = [1]} : vector<16xi32> to vector<1xi32>
    %squeeze3A_80 = vector.extract %slice3A_79[0] : i32 from vector<1xi32>
    %mul3A_81 = arith.constant 5 : i32
    %mul3A_82 = arith.muli %mul3A_81, %squeeze3A_80 : i32
    %shift_right_arithmetic3A_83 = arith.constant 3 : i32
    %shift_right_arithmetic3A_84 = arith.shrsi %mul3A_73, %shift_right_arithmetic3A_83 : i32
    %shift_left3A_85 = arith.constant 3 : i32
    %shift_left3A_86 = arith.shli %shift_right_arithmetic3A_84, %shift_left3A_85 : i32
    %multiple_of3A_87 = tpu.assume_multiple %shift_left3A_86, 8 : i32
    %shift_right_arithmetic3A_88 = arith.constant 3 : i32
    %shift_right_arithmetic3A_89 = arith.shrsi %mul3A_82, %shift_right_arithmetic3A_88 : i32
    %shift_left3A_90 = arith.constant 3 : i32
    %shift_left3A_91 = arith.shli %shift_right_arithmetic3A_89, %shift_left3A_90 : i32
    %multiple_of3A_92 = tpu.assume_multiple %shift_left3A_91, 8 : i32
    %sub3A_93 = arith.subi %multiple_of3A_92, %multiple_of3A_87 : i32
    %shift_right_arithmetic3A_94 = arith.constant 11 : i32
    %shift_right_arithmetic3A_95 = arith.shrsi %sub3A_93, %shift_right_arithmetic3A_94 : i32
    %while3A_96 = arith.constant 0 : i32
    %while3A_97 = arith.constant 0 : i32
    %while3A_98 = arith.subi %shift_right_arithmetic3A_95, %while3A_97 : i32
    %while3A_99 = arith.addi %while3A_97, %while3A_98 : i32
    %while3A_100 = arith.constant 1 : i32
    %while3A_101 = arith.divsi %while3A_98, %while3A_100 : i32
    %while3A_102 = arith.muli %while3A_101, %while3A_100 : i32
    %while3A_103 = arith.addi %while3A_97, %while3A_102 : i32
    %while3A_104 = arith.constant 1 : i32
    scf.for %while3A_129 = %while3A_97 to %while3A_103 step %while3A_104  : i32 {
      %sub3A_130 = arith.subi %multiple_of3A_87, %multiple_of3A_16 : i32
      %shift_left3A_131 = arith.constant 11 : i32
      %shift_left3A_132 = arith.shli %while3A_129, %shift_left3A_131 : i32
      %add3A_133 = arith.addi %sub3A_130, %shift_left3A_132 : i32
      %multiple_of3A_134 = tpu.assume_multiple %add3A_133, 8 : i32
      %shift_left3A_135 = arith.constant 11 : i32
      %shift_left3A_136 = arith.shli %while3A_129, %shift_left3A_135 : i32
      %add3A_137 = arith.addi %multiple_of3A_87, %shift_left3A_136 : i32
      %multiple_of3A_138 = tpu.assume_multiple %add3A_137, 8 : i32
      "tpu.region"() ({
        %run_scoped3A = tpu.sem_alloc : memref<!tpu.dma_semaphore, #tpu.memory_space<semaphore_mem>>
        %dma_start3A_139 = tpu.memref_slice %arg10[%multiple_of3A_134] : memref<24672xf32, #tpu.memory_space<vmem>> -> memref<2048xf32, #tpu.memory_space<vmem>>
        %dma_start3A_140 = tpu.memref_slice %arg6[%multiple_of3A_138] : memref<500000xf32, #tpu.memory_space<hbm>> -> memref<2048xf32, #tpu.memory_space<hbm>>
        %dma_start3A_141 = tpu.memref_slice %arg6[%multiple_of3A_138] : memref<500000xf32, #tpu.memory_space<hbm>> -> memref<2048xf32, #tpu.memory_space<hbm>>
        %dma_start3A_142 = tpu.memref_slice %arg10[%multiple_of3A_134] : memref<24672xf32, #tpu.memory_space<vmem>> -> memref<2048xf32, #tpu.memory_space<vmem>>
        tpu.enqueue_dma source(%dma_start3A_142 : memref<2048xf32, #tpu.memory_space<vmem>>) target(%dma_start3A_141 : memref<2048xf32, #tpu.memory_space<hbm>>) target_semaphore(%run_scoped3A : memref<!tpu.dma_semaphore, #tpu.memory_space<semaphore_mem>>)
        %dma_wait3A_143 = tpu.memref_slice %arg10[%multiple_of3A_134] : memref<24672xf32, #tpu.memory_space<vmem>> -> memref<2048xf32, #tpu.memory_space<vmem>>
        %dma_wait3A_144 = tpu.memref_slice %arg6[%multiple_of3A_138] : memref<500000xf32, #tpu.memory_space<hbm>> -> memref<2048xf32, #tpu.memory_space<hbm>>
        %dma_wait3A_145 = tpu.memref_slice %arg6[%multiple_of3A_138] : memref<500000xf32, #tpu.memory_space<hbm>> -> memref<2048xf32, #tpu.memory_space<hbm>>
        %dma_wait3A_146 = tpu.memref_slice %arg10[%multiple_of3A_134] : memref<24672xf32, #tpu.memory_space<vmem>> -> memref<2048xf32, #tpu.memory_space<vmem>>
        tpu.wait_dma2 semaphore(%run_scoped3A : memref<!tpu.dma_semaphore, #tpu.memory_space<semaphore_mem>>) src(%dma_wait3A_146 : memref<2048xf32, #tpu.memory_space<vmem>>) dst(%dma_wait3A_145 : memref<2048xf32, #tpu.memory_space<hbm>>)
        tpu.yield
      }) : () -> ()
    }
    %while3A_105 = arith.constant 1 : i32
    scf.for %while3A_129 = %while3A_103 to %while3A_99 step %while3A_105  : i32 {
      %sub3A_130 = arith.subi %multiple_of3A_87, %multiple_of3A_16 : i32
      %shift_left3A_131 = arith.constant 11 : i32
      %shift_left3A_132 = arith.shli %while3A_129, %shift_left3A_131 : i32
      %add3A_133 = arith.addi %sub3A_130, %shift_left3A_132 : i32
      %multiple_of3A_134 = tpu.assume_multiple %add3A_133, 8 : i32
      %shift_left3A_135 = arith.constant 11 : i32
      %shift_left3A_136 = arith.shli %while3A_129, %shift_left3A_135 : i32
      %add3A_137 = arith.addi %multiple_of3A_87, %shift_left3A_136 : i32
      %multiple_of3A_138 = tpu.assume_multiple %add3A_137, 8 : i32
      "tpu.region"() ({
        %run_scoped3A = tpu.sem_alloc : memref<!tpu.dma_semaphore, #tpu.memory_space<semaphore_mem>>
        %dma_start3A_139 = tpu.memref_slice %arg10[%multiple_of3A_134] : memref<24672xf32, #tpu.memory_space<vmem>> -> memref<2048xf32, #tpu.memory_space<vmem>>
        %dma_start3A_140 = tpu.memref_slice %arg6[%multiple_of3A_138] : memref<500000xf32, #tpu.memory_space<hbm>> -> memref<2048xf32, #tpu.memory_space<hbm>>
        %dma_start3A_141 = tpu.memref_slice %arg6[%multiple_of3A_138] : memref<500000xf32, #tpu.memory_space<hbm>> -> memref<2048xf32, #tpu.memory_space<hbm>>
        %dma_start3A_142 = tpu.memref_slice %arg10[%multiple_of3A_134] : memref<24672xf32, #tpu.memory_space<vmem>> -> memref<2048xf32, #tpu.memory_space<vmem>>
        tpu.enqueue_dma source(%dma_start3A_142 : memref<2048xf32, #tpu.memory_space<vmem>>) target(%dma_start3A_141 : memref<2048xf32, #tpu.memory_space<hbm>>) target_semaphore(%run_scoped3A : memref<!tpu.dma_semaphore, #tpu.memory_space<semaphore_mem>>)
        %dma_wait3A_143 = tpu.memref_slice %arg10[%multiple_of3A_134] : memref<24672xf32, #tpu.memory_space<vmem>> -> memref<2048xf32, #tpu.memory_space<vmem>>
        %dma_wait3A_144 = tpu.memref_slice %arg6[%multiple_of3A_138] : memref<500000xf32, #tpu.memory_space<hbm>> -> memref<2048xf32, #tpu.memory_space<hbm>>
        %dma_wait3A_145 = tpu.memref_slice %arg6[%multiple_of3A_138] : memref<500000xf32, #tpu.memory_space<hbm>> -> memref<2048xf32, #tpu.memory_space<hbm>>
        %dma_wait3A_146 = tpu.memref_slice %arg10[%multiple_of3A_134] : memref<24672xf32, #tpu.memory_space<vmem>> -> memref<2048xf32, #tpu.memory_space<vmem>>
        tpu.wait_dma2 semaphore(%run_scoped3A : memref<!tpu.dma_semaphore, #tpu.memory_space<semaphore_mem>>) src(%dma_wait3A_146 : memref<2048xf32, #tpu.memory_space<vmem>>) dst(%dma_wait3A_145 : memref<2048xf32, #tpu.memory_space<hbm>>)
        tpu.yield
      }) : () -> ()
    }
    %shift_left3A_106 = arith.constant 11 : i32
    %shift_left3A_107 = arith.shli %shift_right_arithmetic3A_95, %shift_left3A_106 : i32
    %sub3A_108 = arith.subi %sub3A_93, %shift_left3A_107 : i32
    %gt3A = arith.constant 0 : i32
    %gt3A_109 = arith.cmpi sgt, %sub3A_108, %gt3A : i32
    %gt3A_110 = arith.constant 0 : i32
    %gt3A_111 = arith.cmpi sgt, %shift_right_arithmetic3A_95, %gt3A_110 : i32
    %and3A = arith.andi %gt3A_109, %gt3A_111 : i1
    %convert_element_type3A = arith.extui %and3A : i1 to i32
    %cond3A = arith.constant 0 : i32
    %cond3A_112 = arith.cmpi ne, %convert_element_type3A, %cond3A : i32
    scf.if %cond3A_112 {
      %sub3A_129 = arith.subi %multiple_of3A_92, %multiple_of3A_16 : i32
      %sub3A_130 = arith.constant 2048 : i32
      %sub3A_131 = arith.subi %sub3A_129, %sub3A_130 : i32
      %multiple_of3A_132 = tpu.assume_multiple %sub3A_131, 8 : i32
      %sub3A_133 = arith.constant 2048 : i32
      %sub3A_134 = arith.subi %multiple_of3A_92, %sub3A_133 : i32
      %multiple_of3A_135 = tpu.assume_multiple %sub3A_134, 8 : i32
      "tpu.region"() ({
        %run_scoped3A = tpu.sem_alloc : memref<!tpu.dma_semaphore, #tpu.memory_space<semaphore_mem>>
        %dma_start3A_136 = tpu.memref_slice %arg10[%multiple_of3A_132] : memref<24672xf32, #tpu.memory_space<vmem>> -> memref<2048xf32, #tpu.memory_space<vmem>>
        %dma_start3A_137 = tpu.memref_slice %arg6[%multiple_of3A_135] : memref<500000xf32, #tpu.memory_space<hbm>> -> memref<2048xf32, #tpu.memory_space<hbm>>
        %dma_start3A_138 = tpu.memref_slice %arg6[%multiple_of3A_135] : memref<500000xf32, #tpu.memory_space<hbm>> -> memref<2048xf32, #tpu.memory_space<hbm>>
        %dma_start3A_139 = tpu.memref_slice %arg10[%multiple_of3A_132] : memref<24672xf32, #tpu.memory_space<vmem>> -> memref<2048xf32, #tpu.memory_space<vmem>>
        tpu.enqueue_dma source(%dma_start3A_139 : memref<2048xf32, #tpu.memory_space<vmem>>) target(%dma_start3A_138 : memref<2048xf32, #tpu.memory_space<hbm>>) target_semaphore(%run_scoped3A : memref<!tpu.dma_semaphore, #tpu.memory_space<semaphore_mem>>)
        %dma_wait3A_140 = tpu.memref_slice %arg10[%multiple_of3A_132] : memref<24672xf32, #tpu.memory_space<vmem>> -> memref<2048xf32, #tpu.memory_space<vmem>>
        %dma_wait3A_141 = tpu.memref_slice %arg6[%multiple_of3A_135] : memref<500000xf32, #tpu.memory_space<hbm>> -> memref<2048xf32, #tpu.memory_space<hbm>>
        %dma_wait3A_142 = tpu.memref_slice %arg6[%multiple_of3A_135] : memref<500000xf32, #tpu.memory_space<hbm>> -> memref<2048xf32, #tpu.memory_space<hbm>>
        %dma_wait3A_143 = tpu.memref_slice %arg10[%multiple_of3A_132] : memref<24672xf32, #tpu.memory_space<vmem>> -> memref<2048xf32, #tpu.memory_space<vmem>>
        tpu.wait_dma2 semaphore(%run_scoped3A : memref<!tpu.dma_semaphore, #tpu.memory_space<semaphore_mem>>) src(%dma_wait3A_143 : memref<2048xf32, #tpu.memory_space<vmem>>) dst(%dma_wait3A_142 : memref<2048xf32, #tpu.memory_space<hbm>>)
        tpu.yield
      }) : () -> ()
    } else {
    }
    %eq3A_113 = arith.constant 0 : i32
    %eq3A_114 = arith.cmpi eq, %shift_right_arithmetic3A_95, %eq3A_113 : i32
    %shift_right_arithmetic3A_115 = arith.constant 3 : i32
    %shift_right_arithmetic3A_116 = arith.shrsi %sub3A_108, %shift_right_arithmetic3A_115 : i32
    %jit3A_117 = arith.constant 0 : i32
    %select_n3A_118 = arith.select %eq3A_114, %shift_right_arithmetic3A_116, %jit3A_117 : i32
    %while3A_119 = arith.constant 0 : i32
    %while3A_120 = arith.constant 0 : i32
    %while3A_121 = arith.subi %select_n3A_118, %while3A_120 : i32
    %while3A_122 = arith.addi %while3A_120, %while3A_121 : i32
    %while3A_123 = arith.constant 1 : i32
    %while3A_124 = arith.divsi %while3A_121, %while3A_123 : i32
    %while3A_125 = arith.muli %while3A_124, %while3A_123 : i32
    %while3A_126 = arith.addi %while3A_120, %while3A_125 : i32
    %while3A_127 = arith.constant 1 : i32
    scf.for %while3A_129 = %while3A_120 to %while3A_126 step %while3A_127  : i32 {
      %sub3A_130 = arith.subi %multiple_of3A_87, %multiple_of3A_16 : i32
      %shift_left3A_131 = arith.constant 3 : i32
      %shift_left3A_132 = arith.shli %while3A_129, %shift_left3A_131 : i32
      %add3A_133 = arith.addi %sub3A_130, %shift_left3A_132 : i32
      %multiple_of3A_134 = tpu.assume_multiple %add3A_133, 8 : i32
      %shift_left3A_135 = arith.constant 3 : i32
      %shift_left3A_136 = arith.shli %while3A_129, %shift_left3A_135 : i32
      %add3A_137 = arith.addi %multiple_of3A_87, %shift_left3A_136 : i32
      %multiple_of3A_138 = tpu.assume_multiple %add3A_137, 8 : i32
      "tpu.region"() ({
        %run_scoped3A = tpu.sem_alloc : memref<!tpu.dma_semaphore, #tpu.memory_space<semaphore_mem>>
        %dma_start3A_139 = tpu.memref_slice %arg10[%multiple_of3A_134] : memref<24672xf32, #tpu.memory_space<vmem>> -> memref<8xf32, #tpu.memory_space<vmem>>
        %dma_start3A_140 = tpu.memref_slice %arg6[%multiple_of3A_138] : memref<500000xf32, #tpu.memory_space<hbm>> -> memref<8xf32, #tpu.memory_space<hbm>>
        %dma_start3A_141 = tpu.memref_slice %arg6[%multiple_of3A_138] : memref<500000xf32, #tpu.memory_space<hbm>> -> memref<8xf32, #tpu.memory_space<hbm>>
        %dma_start3A_142 = tpu.memref_slice %arg10[%multiple_of3A_134] : memref<24672xf32, #tpu.memory_space<vmem>> -> memref<8xf32, #tpu.memory_space<vmem>>
        tpu.enqueue_dma source(%dma_start3A_142 : memref<8xf32, #tpu.memory_space<vmem>>) target(%dma_start3A_141 : memref<8xf32, #tpu.memory_space<hbm>>) target_semaphore(%run_scoped3A : memref<!tpu.dma_semaphore, #tpu.memory_space<semaphore_mem>>)
        %dma_wait3A_143 = tpu.memref_slice %arg10[%multiple_of3A_134] : memref<24672xf32, #tpu.memory_space<vmem>> -> memref<8xf32, #tpu.memory_space<vmem>>
        %dma_wait3A_144 = tpu.memref_slice %arg6[%multiple_of3A_138] : memref<500000xf32, #tpu.memory_space<hbm>> -> memref<8xf32, #tpu.memory_space<hbm>>
        %dma_wait3A_145 = tpu.memref_slice %arg6[%multiple_of3A_138] : memref<500000xf32, #tpu.memory_space<hbm>> -> memref<8xf32, #tpu.memory_space<hbm>>
        %dma_wait3A_146 = tpu.memref_slice %arg10[%multiple_of3A_134] : memref<24672xf32, #tpu.memory_space<vmem>> -> memref<8xf32, #tpu.memory_space<vmem>>
        tpu.wait_dma2 semaphore(%run_scoped3A : memref<!tpu.dma_semaphore, #tpu.memory_space<semaphore_mem>>) src(%dma_wait3A_146 : memref<8xf32, #tpu.memory_space<vmem>>) dst(%dma_wait3A_145 : memref<8xf32, #tpu.memory_space<hbm>>)
        tpu.yield
      }) : () -> ()
    }
    %while3A_128 = arith.constant 1 : i32
    scf.for %while3A_129 = %while3A_126 to %while3A_122 step %while3A_128  : i32 {
      %sub3A_130 = arith.subi %multiple_of3A_87, %multiple_of3A_16 : i32
      %shift_left3A_131 = arith.constant 3 : i32
      %shift_left3A_132 = arith.shli %while3A_129, %shift_left3A_131 : i32
      %add3A_133 = arith.addi %sub3A_130, %shift_left3A_132 : i32
      %multiple_of3A_134 = tpu.assume_multiple %add3A_133, 8 : i32
      %shift_left3A_135 = arith.constant 3 : i32
      %shift_left3A_136 = arith.shli %while3A_129, %shift_left3A_135 : i32
      %add3A_137 = arith.addi %multiple_of3A_87, %shift_left3A_136 : i32
      %multiple_of3A_138 = tpu.assume_multiple %add3A_137, 8 : i32
      "tpu.region"() ({
        %run_scoped3A = tpu.sem_alloc : memref<!tpu.dma_semaphore, #tpu.memory_space<semaphore_mem>>
        %dma_start3A_139 = tpu.memref_slice %arg10[%multiple_of3A_134] : memref<24672xf32, #tpu.memory_space<vmem>> -> memref<8xf32, #tpu.memory_space<vmem>>
        %dma_start3A_140 = tpu.memref_slice %arg6[%multiple_of3A_138] : memref<500000xf32, #tpu.memory_space<hbm>> -> memref<8xf32, #tpu.memory_space<hbm>>
        %dma_start3A_141 = tpu.memref_slice %arg6[%multiple_of3A_138] : memref<500000xf32, #tpu.memory_space<hbm>> -> memref<8xf32, #tpu.memory_space<hbm>>
        %dma_start3A_142 = tpu.memref_slice %arg10[%multiple_of3A_134] : memref<24672xf32, #tpu.memory_space<vmem>> -> memref<8xf32, #tpu.memory_space<vmem>>
        tpu.enqueue_dma source(%dma_start3A_142 : memref<8xf32, #tpu.memory_space<vmem>>) target(%dma_start3A_141 : memref<8xf32, #tpu.memory_space<hbm>>) target_semaphore(%run_scoped3A : memref<!tpu.dma_semaphore, #tpu.memory_space<semaphore_mem>>)
        %dma_wait3A_143 = tpu.memref_slice %arg10[%multiple_of3A_134] : memref<24672xf32, #tpu.memory_space<vmem>> -> memref<8xf32, #tpu.memory_space<vmem>>
        %dma_wait3A_144 = tpu.memref_slice %arg6[%multiple_of3A_138] : memref<500000xf32, #tpu.memory_space<hbm>> -> memref<8xf32, #tpu.memory_space<hbm>>
        %dma_wait3A_145 = tpu.memref_slice %arg6[%multiple_of3A_138] : memref<500000xf32, #tpu.memory_space<hbm>> -> memref<8xf32, #tpu.memory_space<hbm>>
        %dma_wait3A_146 = tpu.memref_slice %arg10[%multiple_of3A_134] : memref<24672xf32, #tpu.memory_space<vmem>> -> memref<8xf32, #tpu.memory_space<vmem>>
        tpu.wait_dma2 semaphore(%run_scoped3A : memref<!tpu.dma_semaphore, #tpu.memory_space<semaphore_mem>>) src(%dma_wait3A_146 : memref<8xf32, #tpu.memory_space<vmem>>) dst(%dma_wait3A_145 : memref<8xf32, #tpu.memory_space<hbm>>)
        tpu.yield
      }) : () -> ()
    }
    return
  }
}

module attributes {stable_mosaic.version = 14 : i64} {
  func.func @_p1_body(%arg0: i32, %arg1: memref<1x1x2000xi32, #tpu.memory_space<vmem>>, %arg2: memref<2000x128xf32, #tpu.memory_space<vmem>>, %arg3: memref<128x5xf32, #tpu.memory_space<vmem>>, %arg4: memref<1x5xf32, #tpu.memory_space<vmem>>, %arg5: memref<128x1xf32, #tpu.memory_space<vmem>>, %arg6: memref<2000x5xf32, #tpu.memory_space<vmem>>, %arg7: memref<512x1xf32, #tpu.memory_space<vmem>>, %arg8: memref<1024x1xi32, #tpu.memory_space<vmem>>, %arg9: memref<512x128xf32, #tpu.memory_space<vmem>>, %arg10: memref<512x1xf32, #tpu.memory_space<vmem>>) attributes {dimension_semantics = [#tpu.dimension_semantics<arbitrary>], iteration_bounds = array<i64: 50>, scalar_prefetch = 0 : i64, scratch_operands = 2 : i64, tpu.core_type = #tpu.core_type<tc>, window_params = [{transform_indices = @transform_0, window_bounds = array<i64: 1, 1, 2000>}, {transform_indices = @transform_1, window_bounds = array<i64: 2000, 128>}, {pipeline_mode = #tpu.pipeline_mode<synchronous>, transform_indices = @transform_2, window_bounds = array<i64: 128, 5>}, {pipeline_mode = #tpu.pipeline_mode<synchronous>, transform_indices = @transform_3, window_bounds = array<i64: 1, 5>}, {pipeline_mode = #tpu.pipeline_mode<synchronous>, transform_indices = @transform_4, window_bounds = array<i64: 128, 1>}, {transform_indices = @transform_5, window_bounds = array<i64: 2000, 5>}, {pipeline_mode = #tpu.pipeline_mode<synchronous>, transform_indices = @transform_6, window_bounds = array<i64: 512, 1>}, {pipeline_mode = #tpu.pipeline_mode<synchronous>, transform_indices = @transform_7, window_bounds = array<i64: 1024, 1>}]} {
    %get3A = arith.constant 0 : index
    %get3A_0 = arith.constant 0 : index
    %get3A_1 = vector.load %arg2[%get3A, %get3A_0] : memref<2000x128xf32, #tpu.memory_space<vmem>>, vector<2000x128xf32>
    %get3A_2 = arith.constant 0 : index
    %get3A_3 = arith.constant 0 : index
    %get3A_4 = vector.load %arg3[%get3A_2, %get3A_3] : memref<128x5xf32, #tpu.memory_space<vmem>>, vector<128x5xf32>
    %dot_general3A = arith.constant dense<0.000000e+00> : vector<2000x5xf32>
    %dot_general3A_5 = tpu.matmul %get3A_1, %get3A_4, %dot_general3A {dimension_numbers = #tpu.dot_dimension_numbers<[1], [0], [0], [1], [0, 0, 1, 1], [], []>, transpose_lhs_hint = false} : vector<2000x128xf32>, vector<128x5xf32>, vector<2000x5xf32> -> vector<2000x5xf32>
    %get3A_6 = arith.constant 0 : index
    %get3A_7 = arith.constant 0 : index
    %get3A_8 = vector.load %arg4[%get3A_6, %get3A_7] : memref<1x5xf32, #tpu.memory_space<vmem>>, vector<1x5xf32>
    %add3A = vector.broadcast %get3A_8 : vector<1x5xf32> to vector<2000x5xf32>
    %add3A_9 = arith.addf %dot_general3A_5, %add3A : vector<2000x5xf32>
    %swap3A = arith.constant 0 : index
    %swap3A_10 = arith.constant 0 : index
    %swap3A_11 = vector.load %arg6[%swap3A, %swap3A_10] : memref<2000x5xf32, #tpu.memory_space<vmem>>, vector<2000x5xf32>
    tpu.vector_store %arg6[%swap3A, %swap3A_10], %add3A_9 {strides = array<i32>} : memref<2000x5xf32, #tpu.memory_space<vmem>>, vector<2000x5xf32>,
    %get3A_12 = arith.constant 0 : index
    %get3A_13 = arith.constant 0 : index
    %get3A_14 = arith.constant 0 : index
    %get3A_15 = vector.load %arg1[%get3A_12, %get3A_13, %get3A_14] : memref<1x1x2000xi32, #tpu.memory_space<vmem>>, vector<1x1x2000xi32>
    %get3A_16 = vector.shape_cast %get3A_15 : vector<1x1x2000xi32> to vector<1x2000xi32>
    %iota3A = tpu.iota {dimensions = array<i32: 0>} : vector<512x2000xi32>
    %eq3A = vector.broadcast %get3A_16 : vector<1x2000xi32> to vector<512x2000xi32>
    %eq3A_17 = arith.cmpi eq, %iota3A, %eq3A : vector<512x2000xi32>
    %convert_element_type3A = arith.extui %eq3A_17 : vector<512x2000xi1> to vector<512x2000xi32>
    %convert_element_type3A_18 = arith.sitofp %convert_element_type3A : vector<512x2000xi32> to vector<512x2000xf32>
    %eq3A_19 = arith.constant 0 : i32
    %eq3A_20 = arith.cmpi eq, %arg0, %eq3A_19 : i32
    %convert_element_type3A_21 = arith.extui %eq3A_20 : i1 to i32
    %cond3A = arith.constant 0 : i32
    %cond3A_22 = arith.cmpi ne, %convert_element_type3A_21, %cond3A : i32
    scf.if %cond3A_22 {
      %broadcast_in_dim3A_45 = arith.constant 0.000000e+00 : f32
      %broadcast_in_dim3A_46 = vector.broadcast %broadcast_in_dim3A_45 : f32 to vector<512x128xf32>
      %swap3A_47 = arith.constant 0 : index
      %swap3A_48 = arith.constant 0 : index
      %swap3A_49 = vector.load %arg9[%swap3A_47, %swap3A_48] : memref<512x128xf32, #tpu.memory_space<vmem>>, vector<512x128xf32>
      tpu.vector_store %arg9[%swap3A_47, %swap3A_48], %broadcast_in_dim3A_46 {strides = array<i32>} : memref<512x128xf32, #tpu.memory_space<vmem>>, vector<512x128xf32>,
      %broadcast_in_dim3A_50 = arith.constant 0.000000e+00 : f32
      %broadcast_in_dim3A_51 = vector.broadcast %broadcast_in_dim3A_50 : f32 to vector<512x1xf32>
      %swap3A_52 = arith.constant 0 : index
      %swap3A_53 = arith.constant 0 : index
      %swap3A_54 = vector.load %arg10[%swap3A_52, %swap3A_53] : memref<512x1xf32, #tpu.memory_space<vmem>>, vector<512x1xf32>
      tpu.vector_store %arg10[%swap3A_52, %swap3A_53], %broadcast_in_dim3A_51 {strides = array<i32>} : memref<512x1xf32, #tpu.memory_space<vmem>>, vector<512x1xf32>,
    } else {
    }
    %get3A_23 = arith.constant 0 : index
    %get3A_24 = arith.constant 0 : index
    %get3A_25 = vector.load %arg9[%get3A_23, %get3A_24] : memref<512x128xf32, #tpu.memory_space<vmem>>, vector<512x128xf32>
    %dot_general3A_26 = arith.constant dense<0.000000e+00> : vector<512x128xf32>
    %dot_general3A_27 = tpu.matmul %convert_element_type3A_18, %get3A_1, %dot_general3A_26 {dimension_numbers = #tpu.dot_dimension_numbers<[1], [0], [0], [1], [0, 0, 1, 1], [], []>, transpose_lhs_hint = false} : vector<512x2000xf32>, vector<2000x128xf32>, vector<512x128xf32> -> vector<512x128xf32>
    %add3A_28 = arith.addf %get3A_25, %dot_general3A_27 : vector<512x128xf32>
    %swap3A_29 = arith.constant 0 : index
    %swap3A_30 = arith.constant 0 : index
    %swap3A_31 = vector.load %arg9[%swap3A_29, %swap3A_30] : memref<512x128xf32, #tpu.memory_space<vmem>>, vector<512x128xf32>
    tpu.vector_store %arg9[%swap3A_29, %swap3A_30], %add3A_28 {strides = array<i32>} : memref<512x128xf32, #tpu.memory_space<vmem>>, vector<512x128xf32>,
    %get3A_32 = arith.constant 0 : index
    %get3A_33 = arith.constant 0 : index
    %get3A_34 = vector.load %arg10[%get3A_32, %get3A_33] : memref<512x1xf32, #tpu.memory_space<vmem>>, vector<512x1xf32>
    %reduce_sum3A = arith.constant dense<0.000000e+00> : vector<512xf32>
    %reduce_sum3A_35 = vector.multi_reduction <add>, %convert_element_type3A_18, %reduce_sum3A [1] : vector<512x2000xf32> to vector<512xf32>
    %broadcast_in_dim3A = vector.shape_cast %reduce_sum3A_35 : vector<512xf32> to vector<512x1xf32>
    %add3A_36 = arith.addf %get3A_34, %broadcast_in_dim3A : vector<512x1xf32>
    %swap3A_37 = arith.constant 0 : index
    %swap3A_38 = arith.constant 0 : index
    %swap3A_39 = vector.load %arg10[%swap3A_37, %swap3A_38] : memref<512x1xf32, #tpu.memory_space<vmem>>, vector<512x1xf32>
    tpu.vector_store %arg10[%swap3A_37, %swap3A_38], %add3A_36 {strides = array<i32>} : memref<512x1xf32, #tpu.memory_space<vmem>>, vector<512x1xf32>,
    %eq3A_40 = arith.constant 49 : i32
    %eq3A_41 = arith.cmpi eq, %arg0, %eq3A_40 : i32
    %convert_element_type3A_42 = arith.extui %eq3A_41 : i1 to i32
    %cond3A_43 = arith.constant 0 : i32
    %cond3A_44 = arith.cmpi ne, %convert_element_type3A_42, %cond3A_43 : i32
    scf.if %cond3A_44 {
      %get3A_45 = arith.constant 0 : index
      %get3A_46 = arith.constant 0 : index
      %get3A_47 = vector.load %arg10[%get3A_45, %get3A_46] : memref<512x1xf32, #tpu.memory_space<vmem>>, vector<512x1xf32>
      %get3A_48 = arith.constant 0 : index
      %get3A_49 = arith.constant 0 : index
      %get3A_50 = vector.load %arg9[%get3A_48, %get3A_49] : memref<512x128xf32, #tpu.memory_space<vmem>>, vector<512x128xf32>
      %max3A = arith.constant 1.000000e+00 : f32
      %max3A_51 = vector.broadcast %max3A : f32 to vector<512x1xf32>
      %max3A_52 = arith.maximumf %get3A_47, %max3A_51 : vector<512x1xf32>
      %div3A = vector.broadcast %max3A_52 : vector<512x1xf32> to vector<512x128xf32>
      %div3A_53 = arith.divf %get3A_50, %div3A : vector<512x128xf32>
      %get3A_54 = arith.constant 0 : index
      %get3A_55 = arith.constant 0 : index
      %get3A_56 = vector.load %arg5[%get3A_54, %get3A_55] : memref<128x1xf32, #tpu.memory_space<vmem>>, vector<128x1xf32>
      %dot_general3A_57 = arith.constant dense<0.000000e+00> : vector<512x1xf32>
      %dot_general3A_58 = tpu.matmul %div3A_53, %get3A_56, %dot_general3A_57 {dimension_numbers = #tpu.dot_dimension_numbers<[1], [0], [0], [1], [0, 0, 1, 1], [], []>, precision = #tpu.contract_precision<fp32>, transpose_lhs_hint = false} : vector<512x128xf32>, vector<128x1xf32>, vector<512x1xf32> -> vector<512x1xf32>
      %swap3A_59 = arith.constant 0 : index
      %swap3A_60 = arith.constant 0 : index
      %swap3A_61 = vector.load %arg7[%swap3A_59, %swap3A_60] : memref<512x1xf32, #tpu.memory_space<vmem>>, vector<512x1xf32>
      tpu.vector_store %arg7[%swap3A_59, %swap3A_60], %dot_general3A_58 {strides = array<i32>} : memref<512x1xf32, #tpu.memory_space<vmem>>, vector<512x1xf32>,
      %iota3A_62 = tpu.iota {dimensions = array<i32: 0>} : vector<1024x512xi32>
      %iota3A_63 = tpu.iota {dimensions = array<i32: 1>} : vector<1024x512xi32>
      %lt3A = arith.cmpi slt, %iota3A_63, %iota3A_62 : vector<1024x512xi32>
      %convert_element_type3A_64 = arith.extui %lt3A : vector<1024x512xi1> to vector<1024x512xi32>
      %convert_element_type3A_65 = arith.sitofp %convert_element_type3A_64 : vector<1024x512xi32> to vector<1024x512xf32>
      %dot_general3A_66 = arith.constant dense<0.000000e+00> : vector<1024x1xf32>
      %dot_general3A_67 = tpu.matmul %convert_element_type3A_65, %get3A_47, %dot_general3A_66 {dimension_numbers = #tpu.dot_dimension_numbers<[1], [0], [0], [1], [0, 0, 1, 1], [], []>, precision = #tpu.contract_precision<fp32>, transpose_lhs_hint = false} : vector<1024x512xf32>, vector<512x1xf32>, vector<1024x1xf32> -> vector<1024x1xf32>
      %convert_element_type3A_68 = arith.fptosi %dot_general3A_67 : vector<1024x1xf32> to vector<1024x1xi32>
      %swap3A_69 = arith.constant 0 : index
      %swap3A_70 = arith.constant 0 : index
      %swap3A_71 = vector.load %arg8[%swap3A_69, %swap3A_70] : memref<1024x1xi32, #tpu.memory_space<vmem>>, vector<1024x1xi32>
      tpu.vector_store %arg8[%swap3A_69, %swap3A_70], %convert_element_type3A_68 {strides = array<i32>} : memref<1024x1xi32, #tpu.memory_space<vmem>>, vector<1024x1xi32>,
    } else {
    }
    return
  }
  func.func @transform_0(%arg0: i32) -> (i32, i32, i32) {
    %c0_i32 = arith.constant 0 : i32
    %c0_i32_0 = arith.constant 0 : i32
    %c0_i32_1 = arith.constant 0 : i32
    return %arg0, %c0_i32, %c0_i32_0 : i32, i32, i32
  }
  func.func @transform_1(%arg0: i32) -> (i32, i32) {
    %c0_i32 = arith.constant 0 : i32
    %c0_i32_0 = arith.constant 0 : i32
    return %arg0, %c0_i32 : i32, i32
  }
  func.func @transform_2(%arg0: i32) -> (i32, i32) {
    %c0_i32 = arith.constant 0 : i32
    %c0_i32_0 = arith.constant 0 : i32
    %c0_i32_1 = arith.constant 0 : i32
    return %c0_i32, %c0_i32_0 : i32, i32
  }
  func.func @transform_3(%arg0: i32) -> (i32, i32) {
    %c0_i32 = arith.constant 0 : i32
    %c0_i32_0 = arith.constant 0 : i32
    %c0_i32_1 = arith.constant 0 : i32
    return %c0_i32, %c0_i32_0 : i32, i32
  }
  func.func @transform_4(%arg0: i32) -> (i32, i32) {
    %c0_i32 = arith.constant 0 : i32
    %c0_i32_0 = arith.constant 0 : i32
    %c0_i32_1 = arith.constant 0 : i32
    return %c0_i32, %c0_i32_0 : i32, i32
  }
  func.func @transform_5(%arg0: i32) -> (i32, i32) {
    %c0_i32 = arith.constant 0 : i32
    %c0_i32_0 = arith.constant 0 : i32
    return %arg0, %c0_i32 : i32, i32
  }
  func.func @transform_6(%arg0: i32) -> (i32, i32) {
    %c0_i32 = arith.constant 0 : i32
    %c0_i32_0 = arith.constant 0 : i32
    %c0_i32_1 = arith.constant 0 : i32
    return %c0_i32, %c0_i32_0 : i32, i32
  }
  func.func @transform_7(%arg0: i32) -> (i32, i32) {
    %c0_i32 = arith.constant 0 : i32
    %c0_i32_0 = arith.constant 0 : i32
    %c0_i32_1 = arith.constant 0 : i32
    return %c0_i32, %c0_i32_0 : i32, i32
  }
}

</mosaic_0001>

<sc_bundles>
// kernel: kernel.4.cloned.1.call-start
scs
__scs_entry_jumppad:
0x0: {  	(pc) =	sbr.rel $0x88, $3  }
0x1: {  	(tag) =	ssettag $0x0;
	lr =	simm.s32 $0x1  }
0x2: {  	[smem:$0x3F9C] =	sst lr;
	_ =	strace $0xD0000000  }
0x3: {  	_ = 	snop  }
0x4: {  	_ = 	snop  }
0x5: {  	_ = 	snop  }
0x6: {  	_ = 	snop  }
0x7: {  	_ = 	snop  }
__scs_overlays_trampoline_lowered:
0x8: {  	[smem:$0x3FAB] =	sst s0  }
0x9: {  	[smem:$0x3FAC] =	sst s1  }
0xa: {  	[smem:$0x3FAD] =	sst s2  }
0xb: {  	[smem:$0x3FAE] =	sst s3  }
0xc: {  	[smem:$0x3FAF] =	sst s4  }
0xd: {  	[smem:$0x3FB0] =	sst s5  }
0xe: {  	[smem:$0x3FB1] =	sst s6  }
0xf: {  	[smem:$0x3FB2] =	sst s7  }
0x10: {  	[smem:$0x3FB3] =	sst s8  }
0x11: {  	[smem:$0x3FB4] =	sst s9;
	s0 =	simm.s32 @!p0 $0x0  }
0x12: {  	s1 =	sld [smem:$0x3F9A];
	s0 =	simm.s32 @p0 $0x1  }
0x13: {  	[smem:$0x3FB5] =	sst s0;
	s0 =	simm.s32 @!p1 $0x0  }
0x14: {  	s2 =	sld [smem:$0x3F99];
	s0 =	simm.s32 @p1 $0x1  }
0x15: {  	[smem:$0x3FB6] =	sst s0;
	s0 =	simm.s32 @!p2 $0x0  }
0x16: {  	s3 =	sld [smem:$0x3FDB];
	s0 =	simm.s32 @p2 $0x1  }
0x17: {  	s4 =	simm.s32 $0x1BF5;
	[smem:$0x3FB8] =	sst s0  }
0x18: {  	s0 =	sld [smem:$0x3F9B];
	_ =	swait.ge [sflag:s4], $0x0  }
0x19: {  	s7 =	sld [smem:$0x3F9C]  }
0x1a: {  	s8 =	sadd.s32 $0xFFFFE003, lr  }
0x1b: {  	s9 =	sadd.s32 $0xFFFFFEF7, lr;
	s5 =	simm.s32 $0xFFFFFFFF;
	p2 =	slt.u32 s8, $0xFFFFF086  }
0x1c: {  	p1 =	slt.u32 s9, $0xF7A;
	s5 =	simm.s32 @!p2 $0x0  }
0x1d: {  	s5 =	simm.s32 @p1 $0x1;
	p0 =	seq.s32 s7, s2  }
0x1e: {  	s7 =	smul.u32 @!p0 $0xF7A, s2;
	p2 =	seq.s32 @!p0 s5, $0x0  }
0x1f: {  	s9 =	smul.u32 $0xF7A, s1;
	s8 =	simm.s32 @!p0 $0x1BF5;
	p2 =	por !p2, p0  }
0x20: {  	[sflag:s8] =	ssyncset.s32 @!p0 $0xFFFFF086;
	s6 =	sadd.s32 @!p0 s3, s7;
	s7 =	simm.s32 @!p0 $0x108  }
0x21: {  	s3 =	sadd.s32 s3, s9;
	s6 =	sadd.s32 @!p0 $0x88, s6;
	s7 =	simm.s32 @p2 $0x1082  }
0x22: {  	[simem:s7], [sflag:s8] =	dma.local @!p0 [hbm:s6], $0xF7A  }
0x23: {  	s9 =	sor.u32 $0xD0000000, s2;
	s6 =	simm.s32 $0x108;
	_ =	swait.ge @!p0 [sflag:s8], $0x0  }
0x24: {  	s3 =	sadd.s32 $0x88, s3;
	s6 =	simm.s32 @!p1 $0x1082;
	[sflag:s4] =	ssyncset.s32 $0xFFFFF086  }
0x25: {  	[simem:s6], [sflag:s4] =	dma.local [hbm:s3], $0xF7A  }
0x26: {  	[smem:$0x3F9C] =	sst s1;
	(tag) =	ssettag s2;
	_ =	strace s9  }
0x27: {  	s1 =	sld [smem:$0x3FAC]  }
0x28: {  	s2 =	sld [smem:$0x3FAD]  }
0x29: {  	s4 =	sld [smem:$0x3FAF]  }
0x2a: {  	p0 =	seq.s32 s5, $0x0;
	s5 =	sld [smem:$0x3FB0]  }
0x2b: {  	s6 =	sld [smem:$0x3FB1]  }
0x2c: {  	s7 =	sld [smem:$0x3FB2]  }
0x2d: {  	s3 =	simm.s32 $0x108;
	s8 =	sld [smem:$0x3FB3]  }
0x2e: {  	s3 =	simm.s32 @!p0 $0x1082;
	s9 =	sld [smem:$0x3FB4]  }
0x2f: {  	lr =	sadd.s32 s0, s3;
	s0 =	sld [smem:$0x3FAB]  }
0x30: {  	s3 =	sld [smem:$0x3FAE]  }
0x31: {  	[smem:$0x3FB7] =	sst s10  }
0x32: {  	s10 =	sld [smem:$0x3FB5];
	_ =	sdelay $0x3  }
0x33: {  	p0 =	seq.s32 s10, $0x1;
	s10 =	sld [smem:$0x3FB7];
	_ =	sdelay $0x3  }
0x34: {  	[smem:$0x3FB7] =	sst s10  }
0x35: {  	s10 =	sld [smem:$0x3FB6];
	_ =	sdelay $0x3  }
0x36: {  	p1 =	seq.s32 s10, $0x1;
	s10 =	sld [smem:$0x3FB7];
	_ =	sdelay $0x3  }
0x37: {  	[smem:$0x3FB7] =	sst s10  }
0x38: {  	s10 =	sld [smem:$0x3FB8]  }
0x39: {  	_ = 	snop;
	(pc) =	sbr.ind lr, $3  }
0x3a: {  	_ = 	snop  }
0x3b: {  	_ = 	snop  }
0x3c: {  	p2 =	seq.s32 s10, $0x1;
	s10 =	sld [smem:$0x3FB7]  }
0x3d: {  	_ =	shalt  }
0x3e: {  	_ =	shalt  }
0x3f: {  	_ =	shalt  }
0x40: {  	_ =	shalt  }
0x41: {  	_ =	shalt  }
0x42: {  	_ =	shalt  }
0x43: {  	_ =	shalt  }
0x44: {  	_ =	shalt  }
0x45: {  	_ =	shalt  }
0x46: {  	_ =	shalt  }
0x47: {  	_ =	shalt  }
0x48: {  	_ =	shalt  }
0x49: {  	_ =	shalt  }
0x4a: {  	_ =	shalt  }
0x4b: {  	_ =	shalt  }
0x4c: {  	_ =	shalt  }
0x4d: {  	_ =	shalt  }
0x4e: {  	_ =	shalt  }
0x4f: {  	_ =	shalt  }
0x50: {  	_ =	shalt  }
0x51: {  	_ =	shalt  }
0x52: {  	_ =	shalt  }
0x53: {  	_ =	shalt  }
0x54: {  	_ =	shalt  }
0x55: {  	_ =	shalt  }
0x56: {  	_ =	shalt  }
0x57: {  	_ =	shalt  }
0x58: {  	_ =	shalt  }
0x59: {  	_ =	shalt  }
0x5a: {  	_ =	shalt  }
0x5b: {  	_ =	shalt  }
0x5c: {  	_ =	shalt  }
0x5d: {  	_ =	shalt  }
0x5e: {  	_ =	shalt  }
0x5f: {  	_ =	shalt  }
0x60: {  	_ =	shalt  }
0x61: {  	_ =	shalt  }
0x62: {  	_ =	shalt  }
0x63: {  	_ =	shalt  }
0x64: {  	_ =	shalt  }
0x65: {  	_ =	shalt  }
0x66: {  	_ =	shalt  }
0x67: {  	_ =	shalt  }
0x68: {  	_ =	shalt  }
0x69: {  	_ =	shalt  }
0x6a: {  	_ =	shalt  }
0x6b: {  	_ =	shalt  }
0x6c: {  	_ =	shalt  }
0x6d: {  	_ =	shalt  }
0x6e: {  	_ =	shalt  }
0x6f: {  	_ =	shalt  }
0x70: {  	_ =	shalt  }
0x71: {  	_ =	shalt  }
0x72: {  	_ =	shalt  }
0x73: {  	_ =	shalt  }
0x74: {  	_ =	shalt  }
0x75: {  	_ =	shalt  }
0x76: {  	_ =	shalt  }
0x77: {  	_ =	shalt  }
0x78: {  	_ =	shalt  }
0x79: {  	_ =	shalt  }
0x7a: {  	_ =	shalt  }
0x7b: {  	_ =	shalt  }
0x7c: {  	_ =	shalt  }
0x7d: {  	_ =	shalt  }
0x7e: {  	_ =	shalt  }
0x7f: {  	_ =	shalt  }
0x80: {  	_ =	shalt  }
0x81: {  	_ =	shalt  }
0x82: {  	_ =	shalt  }
0x83: {  	_ =	shalt  }
0x84: {  	_ =	shalt  }
0x85: {  	_ =	shalt  }
0x86: {  	_ =	shalt  }
0x87: {  	_ =	shalt  }
.Lfunc_end0:
.L_simem_size_0:
called_computation_lowered:
.L_overlay_start_0:
0x88: {  	s2 =	sld [smem:$0x3FD9]  }
0x89: {  	s3 =	sld [smem:$0x3FFE];
	_ =	sdelay $0x1  }
0x8a: {  	s1 =	srdreg.scid  }
0x8b: {  	s0 =	sand.u32 $0x1, s1  }
0x8c: {  	s14 =	sshll.u32 s0, $0xA;
	s2 =	sadd.s32 s3, s2  }
0x8d: {  	s2 =	sadd.s32 s2, s14  }
0x8e: {  	[smem:$0x3FC3] =	sst s2  }
0x8f: {  	_ = 	snop  }
0x90: {  	s2 =	sld [smem:$0x3FD0];
	_ =	sdelay $0x2  }
0x91: {  	s15 =	simm.s32 $0xA;
	s4 =	simm.s32 $0x10  }
0x92: {  	[smem:s4], [sflag:s15] =	dma.local [hbm:s2], $0x1  }
0x93: {  	_ =	swait.eq [sflag:s15], $0x1  }
0x94: {  	s16 =	sld [smem:$0x10]  }
0x95: {  	s17 =	sld [smem:$0x11];
	[sflag:s15] =	ssyncset.done $0x0  }
0x96: {  	s5 =	sld [smem:$0x12];
	[sflag:s15] =	ssyncadd.s32 $0xFFFFFFFF  }
0x97: {  	s18 =	sld [smem:$0x13];
	(tm) =	ssettm $0x1  }
0x98: {  	s6 =	sld [smem:$0x3FFB];
	_ =	sdelay $0x3  }
0x99: {  	_ =	strace s6  }
0x9a: {  	s6 =	sld [smem:$0x3FFC];
	_ =	sdelay $0x3  }
0x9b: {  	_ =	strace s6  }
0x9c: {  	s6 =	sld [smem:$0x3FFD];
	_ =	sdelay $0x3  }
0x9d: {  	_ =	strace s6  }
0x9e: {  	_ =	strace $0x8FFFFFFF  }
0x9f: {  	s19 =	sld [smem:$0x3FDB];
	_ =	sdelay $0x1  }
0xa0: {  	s7 =	simm.s32 $_scs_section_size  }
0xa1: {  	s8 =	simm.s32 $_size__tile_overlayer_lowered;
	s9 =	simm.s32 $_tile_overlayer_lowered  }
0xa2: {  	s22 =	simm.s32 $0x1BFF;
	s21 =	sshll.u32 s9, $0x1;
	s6 =	sadd.s32 s7, s19  }
0xa3: {  	s10 =	simm.s32 $0x0;
	s20 =	sshll.u32 s8, $0x1;
	s8 =	sadd.s32 s21, s6  }
0xa4: {  	[timem:s10], [sflag:s22] =	dma.local [hbm:s8], s20  }
0xa5: {  	_ =	swait.ge [sflag:s22], s20  }
0xa6: {  	s7 =	ssub.s32 $0x0, s20;
	[sflag:s22] =	ssyncset.done $0x0  }
0xa7: {  	[sflag:s22] =	ssyncadd.s32 s7;
	_ =	sdelay $0x1  }
0xa8: {  	s23 =	simm.s32 $0x1B8B  }
0xa9: {  	_ =	swait.ge [sflag:s23], $0x1  }
0xaa: {  	[sflag:s23] =	ssyncset.done $0x0  }
0xab: {  	s25 =	simm.s32 $0x1B8E;
	s24 =	sld [smem:$0x3FFE];
	[sflag:s23] =	ssyncadd.s32 $0xFFFFFFFF  }
0xac: {  	s26 =	simm.s32 $execute0_lowered;
	[smem:$0x3FD2] =	sst s25  }
0xad: {  	s8 =	sshll.u32 s26, $0x1;
	_ =	strace $0x80000046;
	[dreg:$0x1] =	wrdreg $0xFFFFFFFF  }
0xae: {  	s28 =	simm.s32 $_size_execute0_lowered;
	s6 =	sadd.s32 s6, s8;
	[dreg:$0x0] =	wrdreg $0x0  }
0xaf: {  	s8 =	sshll.u32 s28, $0x1;
	[dreg:$0x2] =	wrdreg s6  }
0xb0: {  	[dreg:$0x3] =	wrdreg s8  }
0xb1: {  	[dreg:$0x4] =	wrdreg $0xC0  }
0xb2: {  	_ =	task [dreg:s10], $0x5FFFF  }
0xb3: {  	[dreg:$0x1] =	wrdreg $0xFFFFFFFF  }
0xb4: {  	[dreg:$0x0] =	wrdreg $0x60  }
0xb5: {  	[dreg:$0x2] =	wrdreg s16  }
0xb6: {  	[dreg:$0x3] =	wrdreg s24  }
0xb7: {  	[dreg:$0x4] =	wrdreg s18  }
0xb8: {  	[dreg:$0x5] =	wrdreg s17  }
0xb9: {  	[dreg:$0x6] =	wrdreg s5  }
0xba: {  	[dreg:$0x7] =	wrdreg $0x9  }
0xbb: {  	_ =	task.clear_ibuf [dreg:s10], $0x8FFFF;
	_ =	strace $0x90000046  }
0xbc: {  	s29 =	simm.s32 $0x9;
	_ =	strace $0x80000048  }
0xbd: {  	_ =	swait.ge [sflag:s29], $0x1  }
0xbe: {  	[sflag:s29] =	ssyncadd.s32 $0xFFFFFFFF  }
0xbf: {  	_ =	strace $0x90000048  }
0xc0: {  	_ =	sfence  }
0xc1: {  	s30 =	sld [smem:$0x0];
	_ =	sdelay $0x2  }
0xc2: {  	s31 =	sshll.u32 s1, $0xD;
	s1 =	sshrl.u32 s1, $0x2  }
0xc3: {  	s3 =	sand.u32 $0x4000, s31;
	s1 =	sadd.s32 s1, s30  }
0xc4: {  	s0 =	sor.u32 s3, s0;
	s1 =	sshll.u32 s1, $0x11  }
0xc5: {  	s0 =	sor.u32 s1, s0  }
0xc6: {  	s0 =	sadd.s32 $0x8F2B, s0  }
0xc7: {  	[sflag:s0] =	ssyncadd.remote.s32 $0x1  }
0xc8: {  	_ =	sfence.sel $0xFFFF  }
0xc9: {  	[dreg:$0x0] =	wrdreg $0xFFFFFFFF;
	(pc) =	sbr.abs _section_cstart, $3  }
0xca: {  	[dreg:$0x1] =	wrdreg $0xFFFFFFFF  }
0xcb: {  	_ =	task.clear_ibuf [dreg:s10], $0x2FFFF;
	_ =	strace $0x9FFFFFFF  }
0xcc: {  	(tm) =	ssettm $0x7FFFFFFF  }
0xcd: {  	_ =	shalt  }
tec
execute0_lowered:
.L_overlay_start_1:
0x0: {  	(tag) =	ssettag $0x1  }
0x1: {  	s11 =	rddreg [dreg:$0x1]  }
0x2: {  	s1 =	rddreg [dreg:$0x2]  }
0x3: {  	s0 =	srdreg.scid;
	s3 =	rddreg [dreg:$0x3]  }
0x4: {  	s2 =	stileid.u32;
	s13 =	rddreg [dreg:$0x4]  }
0x5: {  	s4 =	simm.s32 $0x0;
	s22 =	simm.s32 $0x2;
	s26 =	simm.s32 $0x0  }
0x6: {  	s0 =	sand.u32 $0x1, s0;
	s2 =	sshll.u32 s2, $0x1;
	[smem:$0x7FF] =	sst s4  }
0x7: {  	s5 =	sadd.s32 $0xF800, s11;
	s2 =	sor.u32 s0, s2;
	_ =	strace $0x80000047  }
0x8: {  	s0 =	ssub.s32 $0x2, s0;
	s16 =	sshll.u32 s2, $0x4;
	s14 =	sshll.u32 s2, $0x1  }
0x9: {  	s10 =	sshrl.u32 s0, $0x1;
	s17 =	smax.u32 s16, $0x8;
	s9 =	sadd.s32 $0xFFFFFFFF, s16  }
0xa: {  	s19 =	sadd.s32 s14, s11;
	s0 =	ssub.s32 s0, s10;
	s10 =	simm.s32 $0x1  }
0xb: {  	s12 =	sadd.s32 s3, s14;
	s13 =	sadd.s32 s13, s14;
	s15 =	sadd.s32 $0xFFFFFFF8, s17  }
0xc: {  	s18 =	ssub.s32 $0x8, s17;
	p0 =	sgt.s32 s9, $0x0;
	s14 =	sadd.s32 $0x1EE00, s19  }
0xd: {  	s19 =	simm.s32 $0x3;
	s8 =	sshrl.u32 s15, $0x3;
	s6 =	sadd.s32 s9, s18  }
.Ltmp0:
0xe: {  	s9 =	simm.s32 @!p0 $0x0;
	p0 =	seq.s32 s2, $0x0;
	(pc) =	sbr.rel .LBB2_1-.Ltmp0, $4  }
0xf: {  	s30 =	sadd.s32 s16, s18;
	s7 =	sadd.s32 s8, s11;
	s8 =	sadd.s32 s1, s8  }
0x10: {  	s9 =	ssub.s32 s9, s15;
	s11 =	simm.s32 $0x1;
	s15 =	ssub.s32 s16, s15  }
0x11: {  	s16 =	ssub.s32 s16, s17;
	s31 =	sadd.s32 $0xC100, s30;
	s7 =	sadd.s32 $0xF600, s7  }
0x12: {  	v0 =	vlaneseq.u32;
	s17 =	smax.u32 s0, $0x1;
	v2 =	vmov s6;
	s11 =	simm.s32 @!p0 $0x0;
	v1 =	vmov s31;
	[dreg:$0x6] =	wrdreg s7  }
.LBB2_24:
0x13: {  	s2 =	sand.u32 $0x7F8, s3  }
0x14: {  	p0 =	seq.s32 s2, $0x0  }
0x15: {  	[sflag:s19] =	ssyncset.done $0x0;
	s0 =	sadd.s32 @!p0 $0xFFFFF800, s0  }
0x16: {  	[sflag:s19] =	ssyncadd.s32 $0xFFFFF800;
	s1 =	ssub.s32 @!p0 s1, s28;
	s0 =	sshrl.u32 @!p0 s0, $0x3  }
0x17: {  	s2 =	simm.s32 @!p0 $0x0;
	s1 =	sadd.s32 @!p0 $0xFFFFF800, s1;
	s0 =	sadd.s32 @!p0 s5, s0  }
0x18: {  	[hbm4b:s0+s2] =	stream.linear.scatter @!p0 [tilespmem:s1], [sflag:$0x3], $0x800, $0x38;
	[tilespmem:$0xC380] =	vst v63  }
0x19: {  	s0 =	simm.s32 @!p0 $0x3  }
0x1a: {  	_ =	swait.ge @!p0 [sflag:s0], $0x800  }
0x1b: {  	[sflag:s0] =	ssyncset.done @!p0 $0x0  }
0x1c: {  	[sflag:s0] =	ssyncadd.s32 @!p0 $0xFFFFF800  }
.LBB2_29:
0x1d: {  	s26 =	sadd.s32 $0x1, s26  }
0x1e: {  	p0 =	sne.s32 s26, s17  }
.Ltmp1:
0x1f: {  	_ = 	snop;
	(pc) =	sbr.rel @!p0 .LBB2_30-.Ltmp1, $1  }
0x20: {  	_ =	sdelay $0x3  }
.LBB2_1:
0x21: {  	s0 =	rddreg [dreg:$0x6];
	s1 =	simm.s32 $0xC100  }
0x22: {  	[tilespmem:s1], [sflag:$0x3] =	stream.linear.gather [hbm4b:s0+s4], $0x20, $0x38;
	[tilespmem:$0xC380] =	vst v63  }
0x23: {  	_ =	swait.ge [sflag:s19], $0x20  }
0x24: {  	[sflag:s19] =	ssyncset.done $0x0  }
0x25: {  	s23 =	simm.s32 $0xC180;
	[sflag:s19] =	ssyncadd.s32 $0xFFFFFFE0  }
0x26: {  	[tilespmem:s23], [sflag:$0x3] =	stream.linear.gather [hbm4b:s8+s4], $0x18, $0x38;
	[tilespmem:$0xC380] =	vst v63  }
0x27: {  	_ =	swait.ge [sflag:s19], $0x18  }
0x28: {  	[sflag:s19] =	ssyncset.done $0x0  }
0x29: {  	[sflag:s19] =	ssyncadd.s32 $0xFFFFFFE8  }
0x2a: {  	v3 =	vld [tilespmem:s9+$0xC100];
	_ =	sdelay $0x4  }
0x2b: {  	(v2sf) =	vpush v3, $0x0;
	_ =	sdelay $0xe  }
0x2c: {  	s24 =	spop (v2sf)  }
0x2d: {  	s0 =	smul.u32 $0x5, s24;
	_ =	sdelay $0x1  }
0x2e: {  	s28 =	sand.u32 $0xFFFFFFF8, s0  }
0x2f: {  	p0 =	slt.s32 s28, $0x74120  }
0x30: {  	s28 =	simm.s32 @!p0 $0x74120  }
0x31: {  	s29 =	rddreg [dreg:$0x0];
	s25 =	sshrl.u32 s28, $0x3  }
0x32: {  	s30 =	rddreg [dreg:$0x1];
	s1 =	sadd.s32 s29, s25  }
0x33: {  	[tilespmem:s4], [sflag:$0x1] =	stream.linear.gather [hbm4b:s1+s4], $0x6000, $0x38;
	[tilespmem:$0xC380] =	vst v63  }
0x34: {  	s31 =	simm.s32 $0x6080;
	s0 =	sadd.s32 s30, s25  }
0x35: {  	[tilespmem:s31], [sflag:$0x2] =	stream.linear.gather [hbm4b:s0+s4], $0x6000, $0x38;
	[tilespmem:$0xC380] =	vst v63  }
0x36: {  	_ =	swait.ge [sflag:s10], $0x6000  }
0x37: {  	[sflag:s10] =	ssyncset.done $0x0  }
0x38: {  	[sflag:s10] =	ssyncadd.s32 $0xFFFFA000  }
0x39: {  	_ =	swait.ge [sflag:s22], $0x6000  }
0x3a: {  	[sflag:s22] =	ssyncset.done $0x0  }
0x3b: {  	s0 =	simm.s32 $0x0;
	[sflag:s22] =	ssyncadd.s32 $0xFFFFA000  }
0x3c: {  	v7 =	vld [tilespmem:s0+$0x0]  }
0x3d: {  	v9 =	vld [tilespmem:s0+$0x6080]  }
0x3e: {  	v6 =	vld [tilespmem:s0+$0x10]  }
0x3f: {  	v3 =	vld [tilespmem:s0+$0x6090]  }
0x40: {  	v4 =	vld [tilespmem:s0+$0x20]  }
0x41: {  	v5 =	vld [tilespmem:s0+$0x60A0];
	v8 =	vmul.f32 $1.442695020e+00, v7  }
0x42: {  	s1 =	simm.s32 $0x100;
	v9 =	vmul.f32 $1.442695020e+00, v9;
	v7 =	vld [tilespmem:s0+$0x30]  }
.LBB2_2:
0x43: {  	p0 =	sne.s32 s1, $0x17F00;
	v6 =	vmul.f32 $1.442695020e+00, v6;
	v10 =	vld [tilespmem:s0+$0x60B0];
	(erf) = vpow2.f32 v8  }
0x44: {  	v3 =	vmul.f32 $1.442695020e+00, v3;
	(erf) = vpow2.f32 v9  }
0x45: {  	v4 =	vmul.f32 $1.442695020e+00, v4;
	(erf) = vpow2.f32 v6  }
0x46: {  	v5 =	vmul.f32 $1.442695020e+00, v5;
	(erf) = vpow2.f32 v3  }
0x47: {  	v3 =	vmul.f32 $1.442695020e+00, v7;
	(erf) = vpow2.f32 v4  }
0x48: {  	v4 =	vmul.f32 $1.442695020e+00, v10;
	(erf) = vpow2.f32 v5  }
0x49: {  	(erf) = vpow2.f32 v3  }
0x4a: {  	(erf) = vpow2.f32 v4;
	_ =	sdelay $0x1  }
0x4b: {  	v3 =	vpop (erf)  }
0x4c: {  	s2 =	sshra.s32 s1, $0x2;
	[tilespmem:s0+$0x0] =	vst v3;
	v3 =	vpop (erf)  }
0x4d: {  	v5 =	vld [tilespmem:s2+$0x0];
	[tilespmem:s0+$0x6080] =	vst v3;
	v3 =	vpop (erf)  }
0x4e: {  	v7 =	vld [tilespmem:s2+$0x6080];
	[tilespmem:s0+$0x10] =	vst v3;
	v3 =	vpop (erf)  }
.Ltmp2:
0x4f: {  	v6 =	vld [tilespmem:s2+$0x10];
	[tilespmem:s0+$0x6090] =	vst v3;
	v4 =	vpop (erf);
	(pc) =	sbr.rel @p0 .LBB2_2-.Ltmp2, $4  }
0x50: {  	v3 =	vld [tilespmem:s2+$0x6090];
	[tilespmem:s0+$0x20] =	vst v4;
	v8 =	vpop (erf)  }
0x51: {  	v4 =	vld [tilespmem:s2+$0x20];
	[tilespmem:s0+$0x60A0] =	vst v8;
	v9 =	vpop (erf)  }
0x52: {  	v8 =	vmul.f32 $1.442695020e+00, v5;
	v5 =	vld [tilespmem:s2+$0x60A0];
	[tilespmem:s0+$0x30] =	vst v9;
	v10 =	vpop (erf)  }
0x53: {  	s1 =	sadd.s32 $0x100, s1;
	v9 =	vmul.f32 $1.442695020e+00, v7;
	v7 =	vld [tilespmem:s2+$0x30];
	[tilespmem:s0+$0x60B0] =	vst v10;
	s0 =	smov.u32 s2  }
0x54: {  	v6 =	vmul.f32 $1.442695020e+00, v6;
	v10 =	vld [tilespmem:s0+$0x60B0];
	(erf) = vpow2.f32 v8  }
0x55: {  	v3 =	vmul.f32 $1.442695020e+00, v3;
	(erf) = vpow2.f32 v9  }
0x56: {  	v4 =	vmul.f32 $1.442695020e+00, v4;
	(erf) = vpow2.f32 v6  }
0x57: {  	v5 =	vmul.f32 $1.442695020e+00, v5;
	(erf) = vpow2.f32 v3  }
0x58: {  	v3 =	vmul.f32 $1.442695020e+00, v7;
	(erf) = vpow2.f32 v4  }
0x59: {  	v4 =	vmul.f32 $1.442695020e+00, v10;
	(erf) = vpow2.f32 v5  }
0x5a: {  	(erf) = vpow2.f32 v3  }
0x5b: {  	(erf) = vpow2.f32 v4;
	_ =	sdelay $0x1  }
0x5c: {  	v3 =	vpop (erf)  }
0x5d: {  	[tilespmem:s0+$0x0] =	vst v3;
	v3 =	vpop (erf)  }
0x5e: {  	[tilespmem:s0+$0x6080] =	vst v3;
	v3 =	vpop (erf)  }
0x5f: {  	[tilespmem:s0+$0x10] =	vst v3;
	v3 =	vpop (erf)  }
.Ltmp3:
0x60: {  	[tilespmem:s0+$0x6090] =	vst v3;
	v3 =	vpop (erf);
	(pc) =	sbr.rel .LBB2_4-.Ltmp3, $4  }
0x61: {  	s1 =	sshll.u32 s28, $0x2;
	[tilespmem:s0+$0x20] =	vst v3;
	v3 =	vpop (erf)  }
0x62: {  	s1 =	ssub.s32 $0x0, s1;
	[tilespmem:s0+$0x60A0] =	vst v3;
	v3 =	vpop (erf)  }
0x63: {  	s1 =	sshra.s32 s1, $0x2;
	[tilespmem:s0+$0x30] =	vst v3;
	v3 =	vpop (erf)  }
0x64: {  	s31 =	smov.u32 s11;
	s29 =	sadd.s32 $0x20, s1;
	s30 =	sadd.s32 $0x60A0, s1;
	v5 =	vimm.s32 $0x0;
	v4 =	vimm.f32 $0.0e+00;
	[tilespmem:s0+$0x60B0] =	vst v3;
	v3 =	vimm.s32 $0x0  }
.LBB2_12:
0x65: {  	v8 =	vimm.s32 $0x7FFFFFFF;
	v9 =	vimm.f32 $-1.000000000e+00  }
.LBB2_20:
0x66: {  	(xrf0) =	vmax.scan.msk.f32 $0xffff, v9;
	_ =	sdelay $0x5  }
0x67: {  	v10, _, _ =	vpop (xrf0)  }
0x68: {  	v10 =	vbroadcast v10, $0xF;
	_ =	sdelay $0x1  }
0x69: {  	vm0 =	veq.f32 v9, v10  }
0x6a: {  	v8 =	vnsel vm0, $0x7FFFFFFF, v8  }
0x6b: {  	(xrf0) =	vmax.scan.msk.u32 $0xffff, v8;
	_ =	sdelay $0x5  }
0x6c: {  	v8, _, _ =	vpop (xrf0)  }
0x6d: {  	(v2sf) =	vpush v8, $0xF;
	_ =	sdelay $0xe  }
0x6e: {  	s1 =	spop (v2sf)  }
0x6f: {  	s1 =	sxor.u32 $0x80000000, s1  }
0x70: {  	s2 =	scvt.s32.f32 s1;
	_ =	sdelay $0x1  }
0x71: {  	s2 =	smul.f32 $2.000000030e-01, s2;
	_ =	sdelay $0x1  }
0x72: {  	s2 =	scvt.f32.s32 s2;
	_ =	sdelay $0x1  }
0x73: {  	s7 =	smul.u32 $0x5, s2;
	_ =	sdelay $0x1  }
0x74: {  	p0 =	slt.s32 s1, s7;
	s7 =	simm.s32 $0x1  }
0x75: {  	s7 =	simm.s32 @!p0 $0x0  }
0x76: {  	s2 =	ssub.s32 s2, s7  }
0x77: {  	s7 =	smul.u32 $0xFFFFFFFB, s2  }
0x78: {  	s18 =	sadd.s32 $0xFFFFFFFF, s31  }
0x79: {  	s31 =	sadd.s32 $0x1, s31;
	p0 =	sgt.s32 s0, s3;
	s1 =	sadd.s32 s1, s7  }
0x7a: {  	s2 =	simm.s32 @!p0 $0x80000000;
	s1 =	simm.s32 @!p0 $0x0;
	p0 =	sne.s32 s31, $0x11  }
.Ltmp4:
0x7b: {  	_ = 	snop;
	(pc) =	sbr.rel @!p0 .LBB2_21-.Ltmp4, $4  }
0x7c: {  	_ = 	snop  }
0x7d: {  	v6 =	vmul.f32 v7, v6;
	v63 =	vmov s18  }
0x7e: {  	vm15 =	veq.s32 v63, v0  }
0x7f: {  	v4 =	vsel vm15, v6, v4;
	v5 =	vsel vm15, s2, v5;
	v3 =	vsel vm15, s1, v3  }
.LBB2_4:
0x80: {  	_ =	sdelay $0x3  }
0x81: {  	v6 =	vld.idx.msk [tilespmem:v2+s31+$0xC100 ss:$0x1], $0xffff  }
0x82: {  	v7 =	vld.idx.msk [tilespmem:v1+s31+$0x0 ss:$0x1], $0xffff;
	_ =	sdelay $0x3  }
0x83: {  	(v2sf) =	vpush v6, $0x0  }
0x84: {  	(v2sf) =	vpush v7, $0x0;
	_ =	sdelay $0xd  }
0x85: {  	s1 =	spop (v2sf)  }
0x86: {  	s3 =	smul.u32 $0x5, s1;
	s0 =	spop (v2sf)  }
0x87: {  	s0 =	smul.u32 $0x5, s0;
	_ =	sdelay $0x1  }
0x88: {  	s21 =	ssub.s32 s0, s3  }
0x89: {  	s2 =	sadd.s32 $0x3F, s21  }
0x8a: {  	s20 =	sshra.s32 s2, $0x6  }
0x8b: {  	p1 =	slt.s32 s20, $0x1  }
.Ltmp5:
0x8c: {  	_ = 	snop;
	(pc) =	sbr.rel @p1 .LBB2_11-.Ltmp5, $3  }
0x8d: {  	_ = 	snop  }
0x8e: {  	s1 =	smul.u32 $0x14, s1;
	_ =	sdelay $0x1  }
0x8f: {  	s18 =	sadd.s32 s31, s6;
	v6 =	vimm.f32 $0.0e+00;
	s1 =	sshra.s32 s1, $0x2;
	p0 =	sne.s32 s20, $0x1  }
.Ltmp6:
0x90: {  	(pc) =	sbr.rel @!p0 .LBB2_6-.Ltmp6, $3  }
0x91: {  	_ =	sdelay $0x1  }
0x92: {  	s23 =	sadd.s32 s1, s29  }
0x93: {  	v6 =	vimm.f32 $0.0e+00;
	s2 =	sadd.s32 $0xFFFFFFFF, s20;
	p2 =	por $0x0, $0x0;
	v7 =	vld [tilespmem:s23+$0xFFFFFFE0]  }
0x94: {  	_ = 	snop  }
0x95: {  	v10 =	vld [tilespmem:s23+$0xFFFFFFF0]  }
0x96: {  	v8 =	vmov s21;
	p3 =	sne.s32 s2, $0x1  }
.Ltmp7:
0x97: {  	s24 =	sadd.s32 $0xFFFFFFF0, s21;
	vm0 =	vgt.s32 v8, v0;
	v8 =	vld [tilespmem:s23+$0x0];
	(pc) =	sbr.rel @!p3 .LBB2_8-.Ltmp7, $4  }
0x98: {  	v9 =	vmov s24;
	v7 =	vnsel vm0, $0x0, v7  }
0x99: {  	s25 =	sadd.s32 $0xFFFFFFE0, s21;
	vm0 =	vgt.s32 v9, v0;
	v9 =	vld [tilespmem:s23+$0x10];
	v11 =	vadd.f32 v7, v6  }
0x9a: {  	p2 =	por $0x1, $0x1;
	v12 =	vmov s25;
	s23 =	sadd.s32 $0x40, s23;
	v10 =	vnsel vm0, $0x0, v10  }
0x9b: {  	s25 =	sadd.s32 $0xFFFFFFFF, s2;
	s2 =	sadd.s32 $0xFFFFFFD0, s21;
	s24 =	smov.u32 s21;
	v7 =	vld [tilespmem:s23+$0xFFFFFFE0];
	vm0 =	vgt.s32 v12, v0;
	v10 =	vadd.f32 v10, v11  }
.LBB2_9:
0x9c: {  	p3 =	sne.s32 s25, $0x1;
	v8 =	vnsel vm0, $0x0, v8;
	v11 =	vmov s2  }
0x9d: {  	s24 =	sadd.s32 $0xFFFFFFC0, s24;
	v12 =	vld [tilespmem:s23+$0xFFFFFFF0];
	v10 =	vadd.f32 v8, v10;
	vm0 =	vgt.s32 v11, v0  }
0x9e: {  	v8 =	vmov s24;
	v9 =	vnsel vm0, $0x0, v9  }
.Ltmp8:
0x9f: {  	s2 =	sadd.s32 $0xFFFFFFF0, s24;
	vm0 =	vgt.s32 v8, v0;
	v8 =	vld [tilespmem:s23+$0x0];
	v9 =	vadd.f32 v9, v10;
	(pc) =	sbr.rel @p3 .LBB2_9-.Ltmp8, $4  }
0xa0: {  	v10 =	vmov s2;
	v7 =	vnsel vm0, $0x0, v7  }
0xa1: {  	s2 =	sadd.s32 $0xFFFFFFE0, s24;
	vm0 =	vgt.s32 v10, v0;
	v11 =	vadd.f32 v7, v9;
	v9 =	vld [tilespmem:s23+$0x10]  }
0xa2: {  	s23 =	sadd.s32 $0x40, s23;
	v10 =	vnsel vm0, $0x0, v12;
	v12 =	vmov s2  }
0xa3: {  	s25 =	sadd.s32 $0xFFFFFFFF, s25;
	s2 =	sadd.s32 $0xFFFFFFD0, s24;
	v7 =	vld [tilespmem:s23+$0xFFFFFFE0];
	v10 =	vadd.f32 v10, v11;
	vm0 =	vgt.s32 v12, v0  }
.LBB2_10:
0xa4: {  	v8 =	vnsel @p2 vm0, $0x0, v8;
	v11 =	vmov @p2 s2  }
0xa5: {  	s2 =	sadd.s32 @p2 $0xFFFFFFC0, s24;
	v8 =	vadd.f32 @p2 v8, v10;
	vm0 =	vgt.s32 @p2 v11, v0  }
0xa6: {  	v58 =	vld [tilespmem:s23+$0xFFFFFFF0];
	s21 =	smov.u32 @p2 s2;
	v9 =	vnsel @p2 vm0, $0x0, v9  }
0xa7: {  	v59 =	vmov s21;
	v8 =	vadd.f32 @p2 v9, v8  }
0xa8: {  	v60 =	vld [tilespmem:s23+$0x0];
	s2 =	sadd.s32 $0xFFFFFFF0, s21;
	vm12 =	vgt.s32 v59, v0  }
0xa9: {  	v61 =	vmov s2;
	v7 =	vnsel vm12, $0x0, v7;
	v6 =	vpsel p2, v8, v6  }
0xaa: {  	s24 =	sadd.s32 $0xFFFFFFE0, s21;
	vm13 =	vgt.s32 v61, v0;
	v6 =	vadd.f32 v7, v6;
	v7 =	vld [tilespmem:s23+$0x10]  }
0xab: {  	v62 =	vmov s24;
	v8 =	vnsel vm13, $0x0, v58  }
0xac: {  	s25 =	sadd.s32 $0xFFFFFFD0, s21;
	vm14 =	vgt.s32 v62, v0;
	v6 =	vadd.f32 v8, v6  }
0xad: {  	v63 =	vmov s25;
	v8 =	vnsel vm14, $0x0, v60  }
0xae: {  	vm15 =	vgt.s32 v63, v0;
	v6 =	vadd.f32 v8, v6  }
0xaf: {  	v7 =	vnsel vm15, $0x0, v7  }
0xb0: {  	v6 =	vadd.f32 v7, v6  }
.LBB2_11:
0xb1: {  	v7 =	vld [tilespmem:s18+$0xC180];
	_ =	sdelay $0x4  }
0xb2: {  	v7 =	vmul.f32 $1.442695020e+00, v7;
	_ =	sdelay $0x1  }
0xb3: {  	v7 =	vbroadcast v7, $0x0;
	_ =	sdelay $0x1  }
0xb4: {  	(erf) = vpow2.f32 v7;
	_ =	sdelay $0x6  }
0xb5: {  	(xrf2) =	vadd.scan.msk.f32 $0xffff, v6;
	_ =	sdelay $0x1  }
0xb6: {  	v6 =	vpop (erf)  }
0xb7: {  	(xrf0) =	vmax.scan.msk.f32 $0xffff, v6;
	_ =	sdelay $0x5  }
0xb8: {  	v7, _, _ =	vpop (xrf0)  }
0xb9: {  	(v2sf) =	vpush v7, $0xF;
	v7, _, _ =	vpop (xrf2)  }
0xba: {  	(v2sf) =	vpush v7, $0xF;
	_ =	sdelay $0xd  }
0xbb: {  	s2 =	spop (v2sf)  }
0xbc: {  	s25 =	spop (v2sf)  }
0xbd: {  	s2 =	sadd.f32 s2, s25;
	_ =	sdelay $0x1  }
0xbe: {  	v7 =	vmov s2  }
0xbf: {  	(erf) = vrcp.f32 v7;
	_ =	sdelay $0x4  }
.Ltmp9:
0xc0: {  	_ = 	snop;
	(pc) =	sbr.rel @p1 .LBB2_12-.Ltmp9, $2  }
0xc1: {  	_ =	sdelay $0x2  }
0xc2: {  	v7 =	vpop (erf)  }
0xc3: {  	s21 =	sadd.s32 s1, s29  }
0xc4: {  	v8 =	vld [tilespmem:s21+$0xFFFFFFE0];
	_ =	sdelay $0x1  }
0xc5: {  	s2 =	ssub.s32 s0, s3;
	v9 =	vld [tilespmem:s21+$0xFFFFFFF0]  }
0xc6: {  	s2 =	sadd.s32 $0xFFFFFFD0, s2;
	v13 =	vld [tilespmem:s21+$0x0]  }
0xc7: {  	s18 =	sadd.s32 s1, s30;
	v15 =	vld [tilespmem:s21+$0x10];
	s24 =	sadd.s32 $0x30, s2  }
0xc8: {  	v16 =	vld [tilespmem:s18+$0xFFFFFFE0];
	v10 =	vmov s24;
	v12 =	vmul.f32 v8, v7  }
0xc9: {  	s23 =	sadd.s32 $0x10, s2;
	vm3 =	vgt.s32 v10, v0  }
0xca: {  	s25 =	sadd.s32 $0x20, s2;
	v17 =	vmov s2;
	v14 =	vmov s23;
	v8 =	vsel vm3, v12, v8  }
.Ltmp10:
0xcb: {  	v10 =	vmov s25;
	v11 =	vmul.f32 v9, v7;
	[tilespmem:s21+$0xFFFFFFE0] =	vst v8;
	v8 =	vadd.f32 $9.999999710e-10, v12;
	(pc) =	sbr.rel @!p0 .LBB2_14-.Ltmp10, $4  }
0xcc: {  	vm0 =	vgt.s32 v14, v0;
	vm1 =	vgt.s32 v10, v0;
	v14 =	vmul.f32 v13, v7  }
0xcd: {  	v9 =	vsel vm1, v11, v9;
	v12 =	vmul.f32 v15, v7;
	v18 =	vmul.f32 v8, v16  }
0xce: {  	s1 =	sadd.s32 $0x30, s3;
	p1 =	por $0x0, $0x0;
	vm2 =	vgt.s32 v17, v0;
	v17 =	vsel vm0, v14, v13;
	v10 =	vld [tilespmem:s18+$0xFFFFFFF0];
	[tilespmem:s21+$0xFFFFFFF0] =	vst v9;
	v9 =	vimm.f32 $-1.000000000e+00  }
0xcf: {  	s23 =	sadd.s32 $0xFFFFFFFF, s20;
	s20 =	sadd.s32 $0x40, s21;
	s24 =	sadd.s32 $0xFFFFFFC0, s2;
	v16 =	vld [tilespmem:s18+$0x0];
	v8 =	vimm.s32 $0xFFFFFFFF;
	[tilespmem:s21+$0x0] =	vst v17;
	v17 =	vsel vm2, v12, v15;
	v13 =	vnsel vm3, $0x0, v18  }
0xd0: {  	vm4 =	vmmov vm0;
	vm5 =	vmmov vm1;
	vm3 =	vmmov vm2  }
0xd1: {  	v18 =	vld [tilespmem:s18+$0x10];
	s2 =	sadd.s32 $0x10, s24;
	vm6 =	vge.f32 v13, v9;
	v14 =	vadd.f32 $9.999999710e-10, v14;
	v15 =	vadd.s32 s1, v0  }
0xd2: {  	v19 =	vld [tilespmem:s20+$0xFFFFFFE0];
	s25 =	sadd.s32 $0x30, s24;
	s7 =	sadd.s32 $0x20, s24;
	[tilespmem:s21+$0x10] =	vst v17;
	v12 =	vadd.f32 $9.999999710e-10, v12;
	v11 =	vadd.f32 $9.999999710e-10, v11;
	v20 =	vmov s2  }
0xd3: {  	v17 =	vmov s25;
	v21 =	vmov s7;
	v22 =	vld [tilespmem:s20+$0x0];
	s7 =	sadd.s32 $0xFFFFFFF0, s1;
	s25 =	sadd.s32 $0xFFFFFFE0, s1;
	v13 =	vsel vm6, v13, v9  }
0xd4: {  	s21 =	sadd.s32 $0xFFFFFFD0, s1;
	v24 =	vld [tilespmem:s20+$0xFFFFFFF0];
	v23 =	vadd.s32 s7, v0;
	vm0 =	vgt.s32 v20, v0;
	v20 =	vadd.s32 s25, v0  }
0xd5: {  	v25 =	vld [tilespmem:s20+$0x10];
	vm7 =	vgt.s32 v17, v0;
	v16 =	vmul.f32 v14, v16;
	v14 =	vadd.s32 s21, v0  }
0xd6: {  	s18 =	sadd.s32 $0x40, s18;
	vm1 =	vgt.s32 v21, v0;
	v10 =	vmul.f32 v11, v10;
	v26 =	vsel vm6, v14, v8  }
0xd7: {  	v17 =	vld [tilespmem:s18+$0xFFFFFFE0];
	v27 =	vmul.f32 v12, v18;
	v12 =	vmul.f32 v19, v7;
	v18 =	vmov s24  }
0xd8: {  	v14 =	vmul.f32 v22, v7;
	vm2 =	vgt.s32 v18, v0;
	v18 =	vnsel vm5, $0x0, v10  }
0xd9: {  	p0 =	sne.s32 s23, $0x1;
	v11 =	vmul.f32 v24, v7;
	v19 =	vsel vm7, v12, v19;
	vm5 =	vge.f32 v18, v13  }
.Ltmp11:
0xda: {  	v21 =	vsel vm0, v14, v22;
	[tilespmem:s20+$0xFFFFFFE0] =	vst v19;
	v19 =	vadd.f32 $9.999999710e-10, v12;
	v12 =	vmul.f32 v25, v7;
	(pc) =	sbr.rel @!p0 .LBB2_16-.Ltmp11, $4  }
0xdb: {  	v22 =	vsel vm1, v11, v24;
	v13 =	vsel vm5, v18, v13;
	v18 =	vnsel vm4, $0x0, v16  }
0xdc: {  	vm4 =	vge.f32 v18, v13;
	v17 =	vmul.f32 v19, v17;
	v19 =	vsel vm5, v20, v26  }
0xdd: {  	p1 =	por $0x1, $0x1;
	s1 =	sadd.s32 $0x40, s1;
	v10 =	vld [tilespmem:s18+$0xFFFFFFF0];
	[tilespmem:s20+$0xFFFFFFF0] =	vst v22;
	v18 =	vsel vm4, v18, v13;
	v20 =	vnsel vm3, $0x0, v27;
	v19 =	vsel vm4, v23, v19  }
0xde: {  	s21 =	sadd.s32 $0xFFFFFFFF, s23;
	s23 =	sadd.s32 $0x40, s20;
	s24 =	sadd.s32 $0xFFFFFFC0, s24;
	v16 =	vld [tilespmem:s18+$0x0];
	[tilespmem:s20+$0x0] =	vst v21;
	vm3 =	vge.f32 v20, v18;
	v13 =	vnsel vm7, $0x0, v17;
	v17 =	vsel vm2, v12, v25  }
.LBB2_17:
0xdf: {  	v18 =	vsel vm3, v20, v18;
	v19 =	vsel vm3, v15, v19  }
0xe0: {  	s2 =	sadd.s32 $0x10, s24;
	p0 =	sne.s32 s21, $0x1;
	s21 =	sadd.s32 $0xFFFFFFFF, s21;
	v21 =	vld [tilespmem:s18+$0x10];
	vm4 =	vmmov vm0;
	vm5 =	vmmov vm1;
	vm3 =	vmmov vm2  }
0xe1: {  	s7 =	sadd.s32 $0x30, s24;
	s25 =	sadd.s32 $0x20, s24;
	v14 =	vadd.f32 $9.999999710e-10, v14;
	v20 =	vld [tilespmem:s23+$0xFFFFFFE0];
	v22 =	vmov s2;
	vm6 =	vge.f32 v13, v18;
	[tilespmem:s20+$0x10] =	vst v17;
	s20 =	smov.u32 s23  }
0xe2: {  	v15 =	vadd.s32 s1, v0;
	v17 =	vmov s7;
	v23 =	vmov s25;
	s2 =	sadd.s32 $0xFFFFFFF0, s1;
	v24 =	vld [tilespmem:s23+$0x0]  }
0xe3: {  	v12 =	vadd.f32 $9.999999710e-10, v12;
	s18 =	sadd.s32 $0x40, s18;
	s7 =	sadd.s32 $0xFFFFFFD0, s1;
	s25 =	sadd.s32 $0xFFFFFFE0, s1;
	v25 =	vadd.s32 s2, v0;
	v16 =	vmul.f32 v14, v16  }
0xe4: {  	vm0 =	vgt.s32 v22, v0;
	v22 =	vadd.s32 s25, v0;
	v14 =	vadd.s32 s7, v0;
	v26 =	vld [tilespmem:s23+$0xFFFFFFF0]  }
0xe5: {  	v11 =	vadd.f32 $9.999999710e-10, v11;
	v19 =	vsel vm6, v14, v19;
	v27 =	vld [tilespmem:s23+$0x10];
	v21 =	vmul.f32 v12, v21  }
0xe6: {  	vm7 =	vgt.s32 v17, v0;
	vm1 =	vgt.s32 v23, v0;
	v12 =	vmul.f32 v20, v7  }
0xe7: {  	v23 =	vmov s24;
	v10 =	vmul.f32 v11, v10;
	v17 =	vld [tilespmem:s18+$0xFFFFFFE0];
	v14 =	vmul.f32 v24, v7  }
0xe8: {  	v13 =	vsel vm6, v13, v18;
	vm2 =	vgt.s32 v23, v0;
	v11 =	vsel vm7, v12, v20  }
0xe9: {  	v18 =	vnsel vm5, $0x0, v10;
	[tilespmem:s23+$0xFFFFFFE0] =	vst v11;
	v11 =	vmul.f32 v26, v7;
	v23 =	vsel vm0, v14, v24  }
.Ltmp12:
0xea: {  	vm5 =	vge.f32 v18, v13;
	v20 =	vadd.f32 $9.999999710e-10, v12;
	v12 =	vmul.f32 v27, v7;
	(pc) =	sbr.rel @p0 .LBB2_17-.Ltmp12, $4  }
0xeb: {  	v13 =	vsel vm5, v18, v13;
	v18 =	vnsel vm4, $0x0, v16;
	v10 =	vld [tilespmem:s18+$0xFFFFFFF0];
	v24 =	vsel vm1, v11, v26  }
0xec: {  	s1 =	sadd.s32 $0x40, s1;
	v19 =	vsel vm5, v22, v19;
	vm4 =	vge.f32 v18, v13;
	v17 =	vmul.f32 v20, v17;
	[tilespmem:s23+$0xFFFFFFF0] =	vst v24  }
0xed: {  	v18 =	vsel vm4, v18, v13;
	v19 =	vsel vm4, v25, v19;
	v20 =	vnsel vm3, $0x0, v21;
	v16 =	vld [tilespmem:s18+$0x0]  }
0xee: {  	s24 =	sadd.s32 $0xFFFFFFC0, s24;
	s23 =	sadd.s32 $0x40, s23;
	vm3 =	vge.f32 v20, v18;
	v13 =	vnsel vm7, $0x0, v17;
	[tilespmem:s20+$0x0] =	vst v23;
	v17 =	vsel vm2, v12, v27  }
0xef: {  	s21 =	smov.u32 s20  }
.LBB2_19:
0xf0: {  	v18 =	vsel @p1 vm3, v20, v18;
	v15 =	vsel @p1 vm3, v15, v19;
	v11 =	vadd.f32 $9.999999710e-10, v11  }
0xf1: {  	v61 =	vld [tilespmem:s18+$0x10];
	vm0 =	vmmov vm0;
	vm1 =	vmmov vm1;
	v14 =	vadd.f32 $9.999999710e-10, v14  }
0xf2: {  	vm2 =	vmmov vm2;
	s2 =	sadd.s32 $0xFFFFFFF0, s1;
	v9 =	vpsel p1, v18, v9;
	v10 =	vmul.f32 v11, v10  }
0xf3: {  	v12 =	vadd.f32 $9.999999710e-10, v12;
	v62 =	vadd.s32 s2, v0;
	vm14 =	vge.f32 v13, v9  }
0xf4: {  	s24 =	sadd.s32 $0xFFFFFFD0, s1;
	v11 =	vmul.f32 v14, v16;
	v9 =	vsel vm14, v13, v9;
	v10 =	vnsel vm1, $0x0, v10  }
0xf5: {  	v63 =	vadd.s32 s24, v0;
	v8 =	vpsel p1, v15, v8;
	vm1 =	vge.f32 v10, v9  }
0xf6: {  	s25 =	sadd.s32 $0xFFFFFFE0, s1;
	v12 =	vmul.f32 v12, v61;
	v9 =	vsel vm1, v10, v9;
	v10 =	vnsel vm0, $0x0, v11  }
.Ltmp13:
0xf7: {  	v8 =	vsel vm14, v63, v8;
	v11 =	vadd.s32 s25, v0;
	vm0 =	vge.f32 v10, v9;
	(pc) =	sbr.rel .LBB2_20-.Ltmp13, $4  }
0xf8: {  	v8 =	vsel vm1, v11, v8;
	v9 =	vsel vm0, v10, v9;
	v10 =	vnsel vm2, $0x0, v12  }
0xf9: {  	v11 =	vadd.s32 s1, v0;
	v8 =	vsel vm0, v62, v8;
	vm15 =	vge.f32 v10, v9  }
0xfa: {  	v8 =	vsel vm15, v11, v8  }
0xfb: {  	[tilespmem:s21+$0x10] =	vst v17;
	v9 =	vsel vm15, v10, v9;
	v8 =	vxor.u32 $0x80000000, v8  }
.LBB2_6:
.Ltmp14:
0xfc: {  	(pc) =	sbr.rel .LBB2_10-.Ltmp14, $2  }
0xfd: {  	_ =	sdelay $0x2  }
0xfe: {  	s24 =	smov.u32 s21  }
.LBB2_14:
.Ltmp15:
0xff: {  	(pc) =	sbr.rel .LBB2_19-.Ltmp15, $2  }
0x100: {  	_ =	sdelay $0x2  }
0x101: {  	_ = 	snop  }
.LBB2_8:
.Ltmp16:
0x102: {  	(pc) =	sbr.rel .LBB2_10-.Ltmp16, $2  }
0x103: {  	_ =	sdelay $0x2  }
0x104: {  	s24 =	smov.u32 s21  }
.LBB2_16:
.Ltmp17:
0x105: {  	(pc) =	sbr.rel .LBB2_19-.Ltmp17, $2  }
0x106: {  	_ =	sdelay $0x2  }
0x107: {  	s21 =	smov.u32 s20  }
.LBB2_21:
0x108: {  	[tilespmem:$0xC200] =	vst v4  }
0x109: {  	[tilespmem:$0xC280] =	vst v5  }
0x10a: {  	[tilespmem:$0xC300] =	vst v3;
	s0 =	simm.s32 $0xC200  }
0x10b: {  	[hbm4b:s12+s4] =	stream.linear.scatter [tilespmem:s0], [sflag:$0x3], $0x10, $0x38;
	[tilespmem:$0xC380] =	vst v63  }
0x10c: {  	_ =	swait.ge [sflag:s19], $0x10  }
0x10d: {  	[sflag:s19] =	ssyncset.done $0x0  }
0x10e: {  	s25 =	simm.s32 $0xC280;
	[sflag:s19] =	ssyncadd.s32 $0xFFFFFFF0  }
0x10f: {  	[hbm4b:s13+s4] =	stream.linear.scatter [tilespmem:s25], [sflag:$0x3], $0x10, $0x38;
	[tilespmem:$0xC380] =	vst v63  }
0x110: {  	_ =	swait.ge [sflag:s19], $0x10  }
0x111: {  	[sflag:s19] =	ssyncset.done $0x0  }
0x112: {  	s29 =	simm.s32 $0xC300;
	[sflag:s19] =	ssyncadd.s32 $0xFFFFFFF0  }
0x113: {  	[hbm4b:s14+s4] =	stream.linear.scatter [tilespmem:s29], [sflag:$0x3], $0x10, $0x38;
	[tilespmem:$0xC380] =	vst v63  }
0x114: {  	_ =	swait.ge [sflag:s19], $0x10  }
0x115: {  	[sflag:s19] =	ssyncset.done $0x0  }
0x116: {  	[sflag:s19] =	ssyncadd.s32 $0xFFFFFFF0  }
0x117: {  	v3 =	vld [tilespmem:s15+$0xC100]  }
0x118: {  	v63 =	vld [tilespmem:s16+$0xC118];
	_ =	sdelay $0x3  }
0x119: {  	(v2sf) =	vpush v3, $0x0  }
0x11a: {  	(v2sf) =	vpush v63, $0x0;
	_ =	sdelay $0xd  }
0x11b: {  	s30 =	spop (v2sf)  }
0x11c: {  	s18 =	smul.u32 $0x5, s30;
	s31 =	spop (v2sf)  }
0x11d: {  	s0 =	smul.u32 $0x5, s31;
	_ =	sdelay $0x1  }
0x11e: {  	s2 =	sand.u32 $0xFFFFFFF8, s18;
	s1 =	sand.u32 $0xFFFFFFF8, s0  }
0x11f: {  	s3 =	ssub.s32 s1, s2  }
0x120: {  	s21 =	sshra.s32 s3, $0xB  }
0x121: {  	p0 =	slt.s32 s21, $0x1  }
.Ltmp18:
0x122: {  	_ = 	snop;
	(pc) =	sbr.rel @p0 .LBB2_25-.Ltmp18, $1  }
0x123: {  	_ =	sdelay $0x3  }
0x124: {  	p0 =	sne.s32 s21, $0x1  }
.Ltmp19:
0x125: {  	_ = 	snop;
	(pc) =	sbr.rel @!p0 .LBB2_24-.Ltmp19, $4  }
0x126: {  	s7 =	sshrl.u32 s18, $0x3  }
0x127: {  	s20 =	ssub.s32 s2, s28;
	s31 =	sadd.s32 s5, s7  }
0x128: {  	[hbm4b:s31+s4] =	stream.linear.scatter [tilespmem:s20], [sflag:$0x3], $0x800, $0x38;
	[tilespmem:$0xC380] =	vst v63  }
0x129: {  	s21 =	sadd.s32 $0xFFFFFFFF, s21;
	s18 =	sadd.s32 $0x800, s18;
	_ =	swait.ge [sflag:s19], $0x800  }
.LBB2_23:
0x12a: {  	s2 =	sshrl.u32 s18, $0x3  }
0x12b: {  	[sflag:s19] =	ssyncset.done $0x0;
	s20 =	sadd.s32 $0x800, s20;
	p0 =	sne.s32 s21, $0x1  }
.Ltmp20:
0x12c: {  	s2 =	sadd.s32 s5, s2;
	[sflag:s19] =	ssyncadd.s32 $0xFFFFF800;
	(pc) =	sbr.rel @p0 .LBB2_23-.Ltmp20, $3  }
0x12d: {  	[hbm4b:s2+s4] =	stream.linear.scatter [tilespmem:s20], [sflag:$0x3], $0x800, $0x38;
	[tilespmem:$0xC380] =	vst v63  }
0x12e: {  	s21 =	sadd.s32 $0xFFFFFFFF, s21;
	_ =	sdelay $0x1  }
0x12f: {  	s18 =	sadd.s32 $0x800, s18;
	_ =	swait.ge [sflag:s19], $0x800  }
.Ltmp21:
0x130: {  	_ = 	snop;
	(pc) =	sbr.rel .LBB2_24-.Ltmp21, $1  }
0x131: {  	_ =	sdelay $0x3  }
.LBB2_25:
0x132: {  	s0 =	sand.u32 $0x7F8, s3;
	p0 =	sne.s32 s21, $0x0  }
0x133: {  	p1 =	seq.s32 @!p0 s0, $0x0  }
0x134: {  	p0 =	por p0, p1  }
.Ltmp22:
0x135: {  	_ = 	snop;
	(pc) =	sbr.rel @p0 .LBB2_29-.Ltmp22, $1  }
0x136: {  	_ =	sdelay $0x3  }
0x137: {  	s0 =	sshrl.u32 s0, $0x3  }
0x138: {  	p0 =	sgt.u32 s0, $0x1  }
.Ltmp23:
0x139: {  	s3 =	sshrl.u32 s18, $0x3;
	(pc) =	sbr.rel @!p0 .LBB2_28-.Ltmp23, $4  }
0x13a: {  	s1 =	ssub.s32 s2, s28;
	s31 =	sadd.s32 s5, s3  }
0x13b: {  	[hbm4b:s31+s4] =	stream.linear.scatter [tilespmem:s1], [sflag:$0x3], $0x8, $0x38;
	[tilespmem:$0xC380] =	vst v63  }
0x13c: {  	_ =	swait.ge [sflag:s19], $0x8  }
0x13d: {  	s18 =	sadd.s32 $0x8, s18;
	s3 =	simm.s32 $0x1;
	[sflag:s19] =	ssyncset.done $0x0  }
.LBB2_27:
0x13e: {  	s3 =	sadd.s32 $0x1, s3  }
0x13f: {  	[sflag:s19] =	ssyncadd.s32 $0xFFFFFFF8;
	s1 =	sadd.s32 $0x8, s1;
	p0 =	sgt.u32 s0, s3  }
.Ltmp24:
0x140: {  	s2 =	sshrl.u32 s18, $0x3;
	(pc) =	sbr.rel @p0 .LBB2_27-.Ltmp24, $4  }
0x141: {  	s2 =	sadd.s32 s5, s2  }
0x142: {  	[hbm4b:s2+s4] =	stream.linear.scatter [tilespmem:s1], [sflag:$0x3], $0x8, $0x38;
	[tilespmem:$0xC380] =	vst v63  }
0x143: {  	_ =	swait.ge [sflag:s19], $0x8  }
0x144: {  	s18 =	sadd.s32 $0x8, s18;
	[sflag:s19] =	ssyncset.done $0x0  }
.LBB2_28:
.Ltmp25:
0x145: {  	(pc) =	sbr.rel .LBB2_29-.Ltmp25, $2  }
0x146: {  	_ =	sdelay $0x2  }
0x147: {  	[sflag:s19] =	ssyncadd.s32 $0xFFFFFFF8  }
.LBB2_30:
0x148: {  	_ =	sfence.sel $0x180000  }
0x149: {  	[bflag:$0x0] =	sbarrier.arrive $0xFFFF  }
0x14a: {  	_ =	strace $0x90000047  }
0x14b: {  	s0 =	stileid.u32;
	[bflag:$0x2] =	sbarrier.arrive $0xFFFF  }
0x14c: {  	p0 =	sne.s32 s0, $0x0;
	s0 =	rddreg [dreg:$0x5]  }
0x14d: {  	s0 =	sadd.s32 @!p0 $0x100000, s0  }
0x14e: {  	[sflag:s0] =	ssyncadd.tile.s32 @!p0 $0x1;
	_ =	shalt  }
.Lfunc_end2:
_tile_overlayer_lowered:
.L_overlay_start_2:
0x14f: {  	(tag) =	ssettag $0x2  }
0x150: {  	s0 =	rddreg [dreg:$0x0];
	s2 =	stileid.u32  }
0x151: {  	s1 =	rddreg [dreg:$0x1];
	p0 =	sne.s32 s2, $0x0  }
0x152: {  	s3 =	rddreg [dreg:$0x2];
	[bflag:$0x3] =	sbarrier.arrive $0xFFFF;
	s2 =	simm.s32 @!p0 $0x1C03  }
0x153: {  	[timem:s3], [sflag:s2] =	dma.local @!p0 [hbm:s0], s1  }
0x154: {  	s0 =	simm.s32 @!p0 $0x3  }
0x155: {  	_ =	swait.ge @!p0 [sflag:s0], s1  }
0x156: {  	s1 =	ssub.s32 @!p0 $0x0, s1;
	[sflag:s0] =	ssyncset.done @!p0 $0x0  }
0x157: {  	[sflag:s0] =	ssyncadd.s32 @!p0 s1  }
0x158: {  	[bflag:$0x3] =	sbarrier.arrive $0xFFFF  }
0x159: {  	_ =	shalt  }

</sc_bundles>
